<compile_context>
chip_gen: v7x
topology: tpu7x:2x2x1
jax: 0.10.2.dev20260603
libtpu: 0.0.44.dev20260713+nightly
codegen_flags: <defaults>
</compile_context>

<pallas_src>
import functools

import jax
import jax.numpy as jnp
from jax import lax
from jax.experimental import pallas as pl
from jax.experimental.pallas import tpu as pltpu
from jax.experimental.pallas import tpu_sc as plsc

N = 16384
M = 4096
NC = 1
NS = 16
NW = NC * NS

N_SC = 2048
N_TC = N - N_SC
R = N_SC // NW
BR = 8
NBLK = R // BR
JCH = M // 16

TC_BLK = 512


def _sc_body(a_hbm, x_hbm, out_hbm, x_v, a0, a1, y_v, y2d, ysh, sem0, sem1):
    wid = lax.axis_index("s") * NC + lax.axis_index("c")
    base = N_TC + wid * R

    pltpu.sync_copy(x_hbm, x_v)
    pltpu.async_copy(a_hbm.at[pl.ds(base, BR)], a0, sem0)
    pltpu.async_copy(a_hbm.at[pl.ds(base + BR, BR)], a1, sem1)

    def compute8(a_ref, i, half):
        def jbody(j, accs):
            xj = x_v[pl.ds(j * 16, 16)]
            return tuple(accs[r] + a_ref[r, pl.ds(j * 16, 16)] * xj
                         for r in range(BR))
        accs = lax.fori_loop(
            0, JCH, jbody,
            tuple(jnp.zeros((16,), jnp.float32) for _ in range(BR)),
            unroll=8)
        row0 = (i * 2 + half) * BR
        for r in range(BR):
            y_v[pl.ds((row0 + r) * 16, 16)] = accs[r]

    def outer(i, carry):
        blk = i * 2
        pltpu.make_async_copy(a_hbm.at[pl.ds(base, BR)], a0, sem0).wait()
        compute8(a0, i, 0)

        @pl.when(blk + 2 < NBLK)
        def _():
            pltpu.async_copy(
                a_hbm.at[pl.ds(base + (blk + 2) * BR, BR)], a0, sem0)

        pltpu.make_async_copy(a_hbm.at[pl.ds(base, BR)], a1, sem1).wait()
        compute8(a1, i, 1)

        @pl.when(blk + 3 < NBLK)
        def _():
            pltpu.async_copy(
                a_hbm.at[pl.ds(base + (blk + 3) * BR, BR)], a1, sem1)

        return carry

    lax.fori_loop(0, NBLK // 2, outer, 0)

    def fold_pass(s, store2d):
        def fbody(k, carry):
            v = y_v[pl.ds(k * 16, 16)] + y_v[pl.ds(k * 16 + s, 16)]
            if store2d:
                y2d[k, :] = v
            else:
                y_v[pl.ds(k * 16, 16)] = v
            return carry
        lax.fori_loop(0, R, fbody, 0, unroll=4)

    fold_pass(8, False)
    fold_pass(4, False)
    fold_pass(2, False)
    fold_pass(1, True)
    sid = lax.axis_index("s")
    pltpu.sync_copy(y2d.at[:, 0], ysh.at[sid])
    pltpu.sync_copy(ysh.at[sid], out_hbm.at[pl.ds(wid * R, R)])


@functools.partial(
    pl.kernel,
    out_type=jax.ShapeDtypeStruct((N_SC,), jnp.float32),
    mesh=plsc.VectorSubcoreMesh(core_axis_name="c", subcore_axis_name="s", num_cores=1),
    scratch_types=[
        pltpu.VMEM((M,), jnp.float32),
        pltpu.VMEM((BR, M), jnp.float32),
        pltpu.VMEM((BR, M), jnp.float32),
        pltpu.VMEM((R * 16 + 16,), jnp.float32),
        pltpu.VMEM((R, 16), jnp.float32),
        pltpu.VMEM_SHARED((NS, R), jnp.float32),
        pltpu.SemaphoreType.DMA,
        pltpu.SemaphoreType.DMA,
    ],
)
def _sc_mv(a_hbm, x_hbm, out_hbm, *rest):
    _sc_body(a_hbm, x_hbm, out_hbm, *rest)


def _tc_mv_body(a_ref, x_ref, o_ref):
    o_ref[...] = jax.lax.dot_general(
        a_ref[...], x_ref[...],
        (((1,), (0,)), ((), ())),
        preferred_element_type=jnp.float32)


_tc_mv = pl.pallas_call(
    _tc_mv_body,
    grid=(N_TC // TC_BLK,),
    in_specs=[
        pl.BlockSpec((TC_BLK, M), lambda i: (i, 0)),
        pl.BlockSpec((M,), lambda i: (0,)),
    ],
    out_specs=pl.BlockSpec((TC_BLK,), lambda i: (i,)),
    out_shape=jax.ShapeDtypeStruct((N_TC,), jnp.float32),
)


def kernel(A, x):
    y_sc = _sc_mv(A, x)
    y_tc = _tc_mv(A, x)
    return jnp.concatenate([y_tc, y_sc])

# --- scband reference (transcript-rebuilt; emitter-appended) ---
"""Pipeline reference for scband-sp-mv-11467562680804 (READ-ONLY COPY).

The authoritative reference and input builder live on the scoring server;
editing this copy changes nothing except your own understanding.
"""

import jax, jax.numpy as jnp
import numpy as np

def setup_inputs(seed: int = 0) -> dict:
    key = jax.random.key(seed)
    kA, kx = jax.random.split(key)
    A = jax.random.normal(kA, (16384, 4096), dtype=jnp.float32)
    x = jax.random.normal(kx, (4096,), dtype=jnp.float32)
    return {"A": A, "x": x}

def reference(A, x):
    # torch.mv(A, x): matrix-vector product, A [n, m], x [m] -> [n]
    return jnp.dot(A, x)

if __name__ == "__main__":
    import jax
    _d = setup_inputs()
    print(jax.jit(kernel)(*tuple(_d.values())))

</pallas_src>

<mosaic_0001>
#map = affine_map<(d0, d1) -> (0, 0)>
#map1 = affine_map<(d0, d1) -> (0)>
module attributes {stable_mosaic.version = 14 : i64} {
  func.func @_sc_mv(%arg0: i32, %arg1: i32, %arg2: memref<16384x4096xf32, #tpu.memory_space<hbm>>, %arg3: memref<4096xf32, #tpu.memory_space<hbm>>, %arg4: memref<2048xf32, #tpu.memory_space<hbm>>, %arg5: memref<4096xf32, #tpu.memory_space<vmem>>, %arg6: memref<8x4096xf32, #tpu.memory_space<vmem>>, %arg7: memref<8x4096xf32, #tpu.memory_space<vmem>>, %arg8: memref<2064xf32, #tpu.memory_space<vmem>>, %arg9: memref<128x16xf32, #tpu.memory_space<vmem>>, %arg10: memref<16x128xf32, #tpu.memory_space<vmem_shared>>, %arg11: memref<!tpu.dma_semaphore, #tpu.memory_space<semaphore_mem>>, %arg12: memref<!tpu.dma_semaphore, #tpu.memory_space<semaphore_mem>>) attributes {dimension_semantics = [#tpu.dimension_semantics<core_parallel>, #tpu.dimension_semantics<subcore_parallel>], iteration_bounds = array<i64: 1, 16>, scalar_prefetch = 0 : i64, scratch_operands = 8 : i64, tpu.core_type = #tpu.core_type<sc_vector_subcore>, window_params = [{transform_indices = #map}, {transform_indices = #map1}, {transform_indices = #map1}]} {
    %mul3A = arith.constant 1 : i32
    %mul3A_0 = arith.muli %arg1, %mul3A : i32
    %add3A = arith.addi %mul3A_0, %arg0 : i32
    %mul3A_1 = arith.constant 128 : i32
    %mul3A_2 = arith.muli %add3A, %mul3A_1 : i32
    %add3A_3 = arith.constant 14336 : i32
    %add3A_4 = arith.addi %add3A_3, %mul3A_2 : i32
    "tpu.region"() ({
      %run_scoped3A_45 = tpu.sem_alloc : memref<!tpu.dma_semaphore, #tpu.memory_space<semaphore_mem>>
      tpu.enqueue_dma source(%arg3 : memref<4096xf32, #tpu.memory_space<hbm>>) target(%arg5 : memref<4096xf32, #tpu.memory_space<vmem>>) target_semaphore(%run_scoped3A_45 : memref<!tpu.dma_semaphore, #tpu.memory_space<semaphore_mem>>)
      tpu.wait_dma2 semaphore(%run_scoped3A_45 : memref<!tpu.dma_semaphore, #tpu.memory_space<semaphore_mem>>) src(%arg3 : memref<4096xf32, #tpu.memory_space<hbm>>) dst(%arg5 : memref<4096xf32, #tpu.memory_space<vmem>>)
      tpu.yield
    }) : () -> ()
    %dma_start3A = arith.constant 0 : i32
    %dma_start3A_5 = tpu.memref_slice %arg2[%add3A_4, %dma_start3A] : memref<16384x4096xf32, #tpu.memory_space<hbm>> -> memref<8x4096xf32, #tpu.memory_space<hbm>>
    %dma_start3A_6 = arith.constant 0 : i32
    %dma_start3A_7 = tpu.memref_slice %arg2[%add3A_4, %dma_start3A_6] : memref<16384x4096xf32, #tpu.memory_space<hbm>> -> memref<8x4096xf32, #tpu.memory_space<hbm>>
    tpu.enqueue_dma source(%dma_start3A_7 : memref<8x4096xf32, #tpu.memory_space<hbm>>) target(%arg6 : memref<8x4096xf32, #tpu.memory_space<vmem>>) target_semaphore(%arg11 : memref<!tpu.dma_semaphore, #tpu.memory_space<semaphore_mem>>)
    %add3A_8 = arith.constant 8 : i32
    %add3A_9 = arith.addi %add3A_4, %add3A_8 : i32
    %dma_start3A_10 = arith.constant 0 : i32
    %dma_start3A_11 = tpu.memref_slice %arg2[%add3A_9, %dma_start3A_10] : memref<16384x4096xf32, #tpu.memory_space<hbm>> -> memref<8x4096xf32, #tpu.memory_space<hbm>>
    %dma_start3A_12 = arith.constant 0 : i32
    %dma_start3A_13 = tpu.memref_slice %arg2[%add3A_9, %dma_start3A_12] : memref<16384x4096xf32, #tpu.memory_space<hbm>> -> memref<8x4096xf32, #tpu.memory_space<hbm>>
    tpu.enqueue_dma source(%dma_start3A_13 : memref<8x4096xf32, #tpu.memory_space<hbm>>) target(%arg7 : memref<8x4096xf32, #tpu.memory_space<vmem>>) target_semaphore(%arg12 : memref<!tpu.dma_semaphore, #tpu.memory_space<semaphore_mem>>)
    %scan3A = arith.constant 0 : i32
    %scan3A_14 = arith.constant 0 : i32
    %scan3A_15 = arith.constant 8 : i32
    %scan3A_16 = arith.addi %scan3A_14, %scan3A_15 : i32
    %scan3A_17 = arith.constant 1 : i32
    scf.for %scan3A_45 = %scan3A_14 to %scan3A_16 step %scan3A_17  : i32 {
      %mul3A_46 = arith.constant 2 : i32
      %mul3A_47 = arith.muli %scan3A_45, %mul3A_46 : i32
      %dma_wait3A = arith.constant 0 : i32
      %dma_wait3A_48 = tpu.memref_slice %arg2[%add3A_4, %dma_wait3A] : memref<16384x4096xf32, #tpu.memory_space<hbm>> -> memref<8x4096xf32, #tpu.memory_space<hbm>>
      %dma_wait3A_49 = arith.constant 0 : i32
      %dma_wait3A_50 = tpu.memref_slice %arg2[%add3A_4, %dma_wait3A_49] : memref<16384x4096xf32, #tpu.memory_space<hbm>> -> memref<8x4096xf32, #tpu.memory_space<hbm>>
      tpu.wait_dma2 semaphore(%arg11 : memref<!tpu.dma_semaphore, #tpu.memory_space<semaphore_mem>>) src(%dma_wait3A_50 : memref<8x4096xf32, #tpu.memory_space<hbm>>) dst(%arg6 : memref<8x4096xf32, #tpu.memory_space<vmem>>)
      %broadcast_in_dim3A = arith.constant 0.000000e+00 : f32
      %broadcast_in_dim3A_51 = vector.broadcast %broadcast_in_dim3A : f32 to vector<16xf32>
      %broadcast_in_dim3A_52 = arith.constant 0.000000e+00 : f32
      %broadcast_in_dim3A_53 = vector.broadcast %broadcast_in_dim3A_52 : f32 to vector<16xf32>
      %broadcast_in_dim3A_54 = arith.constant 0.000000e+00 : f32
      %broadcast_in_dim3A_55 = vector.broadcast %broadcast_in_dim3A_54 : f32 to vector<16xf32>
      %broadcast_in_dim3A_56 = arith.constant 0.000000e+00 : f32
      %broadcast_in_dim3A_57 = vector.broadcast %broadcast_in_dim3A_56 : f32 to vector<16xf32>
      %broadcast_in_dim3A_58 = arith.constant 0.000000e+00 : f32
      %broadcast_in_dim3A_59 = vector.broadcast %broadcast_in_dim3A_58 : f32 to vector<16xf32>
      %broadcast_in_dim3A_60 = arith.constant 0.000000e+00 : f32
      %broadcast_in_dim3A_61 = vector.broadcast %broadcast_in_dim3A_60 : f32 to vector<16xf32>
      %broadcast_in_dim3A_62 = arith.constant 0.000000e+00 : f32
      %broadcast_in_dim3A_63 = vector.broadcast %broadcast_in_dim3A_62 : f32 to vector<16xf32>
      %broadcast_in_dim3A_64 = arith.constant 0.000000e+00 : f32
      %broadcast_in_dim3A_65 = vector.broadcast %broadcast_in_dim3A_64 : f32 to vector<16xf32>
      %scan3A_66 = arith.constant 0 : i32
      %scan3A_67 = arith.constant 256 : i32
      %scan3A_68 = arith.addi %scan3A_66, %scan3A_67 : i32
      %scan3A_69 = arith.constant 8 : i32
      %scan3A_70:8 = scf.for %scan3A_248 = %scan3A_66 to %scan3A_68 step %scan3A_69 iter_args(%scan3A_249 = %broadcast_in_dim3A_51, %scan3A_250 = %broadcast_in_dim3A_53, %scan3A_251 = %broadcast_in_dim3A_55, %scan3A_252 = %broadcast_in_dim3A_57, %scan3A_253 = %broadcast_in_dim3A_59, %scan3A_254 = %broadcast_in_dim3A_61, %scan3A_255 = %broadcast_in_dim3A_63, %scan3A_256 = %broadcast_in_dim3A_65) -> (vector<16xf32>, vector<16xf32>, vector<16xf32>, vector<16xf32>, vector<16xf32>, vector<16xf32>, vector<16xf32>, vector<16xf32>)  : i32 {
        %mul3A_257 = arith.constant 16 : i32
        %mul3A_258 = arith.muli %scan3A_248, %mul3A_257 : i32
        %get3A = arith.index_cast %mul3A_258 : i32 to index
        %get3A_259 = tpu.vector_load %arg5[%get3A] {strides = array<i32>} : memref<4096xf32, #tpu.memory_space<vmem>>, vector<16xf32>,
        %get3A_260 = vector.shape_cast %get3A_259 : vector<16xf32> to vector<16xf32>
        %mul3A_261 = arith.constant 16 : i32
        %mul3A_262 = arith.muli %scan3A_248, %mul3A_261 : i32
        %get3A_263 = arith.constant 0 : i32
        %get3A_264 = arith.index_cast %get3A_263 : i32 to index
        %get3A_265 = arith.index_cast %mul3A_262 : i32 to index
        %get3A_266 = tpu.vector_load %arg6[%get3A_264, %get3A_265] {strides = array<i32>} : memref<8x4096xf32, #tpu.memory_space<vmem>>, vector<1x16xf32>,
        %get3A_267 = vector.shape_cast %get3A_266 : vector<1x16xf32> to vector<16xf32>
        %mul3A_268 = arith.mulf %get3A_267, %get3A_260 : vector<16xf32>
        %add3A_269 = arith.addf %scan3A_249, %mul3A_268 : vector<16xf32>
        %mul3A_270 = arith.constant 16 : i32
        %mul3A_271 = arith.muli %scan3A_248, %mul3A_270 : i32
        %get3A_272 = arith.constant 1 : i32
        %get3A_273 = arith.index_cast %get3A_272 : i32 to index
        %get3A_274 = arith.index_cast %mul3A_271 : i32 to index
        %get3A_275 = tpu.vector_load %arg6[%get3A_273, %get3A_274] {strides = array<i32>} : memref<8x4096xf32, #tpu.memory_space<vmem>>, vector<1x16xf32>,
        %get3A_276 = vector.shape_cast %get3A_275 : vector<1x16xf32> to vector<16xf32>
        %mul3A_277 = arith.mulf %get3A_276, %get3A_260 : vector<16xf32>
        %add3A_278 = arith.addf %scan3A_250, %mul3A_277 : vector<16xf32>
        %mul3A_279 = arith.constant 16 : i32
        %mul3A_280 = arith.muli %scan3A_248, %mul3A_279 : i32
        %get3A_281 = arith.constant 2 : i32
        %get3A_282 = arith.index_cast %get3A_281 : i32 to index
        %get3A_283 = arith.index_cast %mul3A_280 : i32 to index
        %get3A_284 = tpu.vector_load %arg6[%get3A_282, %get3A_283] {strides = array<i32>} : memref<8x4096xf32, #tpu.memory_space<vmem>>, vector<1x16xf32>,
        %get3A_285 = vector.shape_cast %get3A_284 : vector<1x16xf32> to vector<16xf32>
        %mul3A_286 = arith.mulf %get3A_285, %get3A_260 : vector<16xf32>
        %add3A_287 = arith.addf %scan3A_251, %mul3A_286 : vector<16xf32>
        %mul3A_288 = arith.constant 16 : i32
        %mul3A_289 = arith.muli %scan3A_248, %mul3A_288 : i32
        %get3A_290 = arith.constant 3 : i32
        %get3A_291 = arith.index_cast %get3A_290 : i32 to index
        %get3A_292 = arith.index_cast %mul3A_289 : i32 to index
        %get3A_293 = tpu.vector_load %arg6[%get3A_291, %get3A_292] {strides = array<i32>} : memref<8x4096xf32, #tpu.memory_space<vmem>>, vector<1x16xf32>,
        %get3A_294 = vector.shape_cast %get3A_293 : vector<1x16xf32> to vector<16xf32>
        %mul3A_295 = arith.mulf %get3A_294, %get3A_260 : vector<16xf32>
        %add3A_296 = arith.addf %scan3A_252, %mul3A_295 : vector<16xf32>
        %mul3A_297 = arith.constant 16 : i32
        %mul3A_298 = arith.muli %scan3A_248, %mul3A_297 : i32
        %get3A_299 = arith.constant 4 : i32
        %get3A_300 = arith.index_cast %get3A_299 : i32 to index
        %get3A_301 = arith.index_cast %mul3A_298 : i32 to index
        %get3A_302 = tpu.vector_load %arg6[%get3A_300, %get3A_301] {strides = array<i32>} : memref<8x4096xf32, #tpu.memory_space<vmem>>, vector<1x16xf32>,
        %get3A_303 = vector.shape_cast %get3A_302 : vector<1x16xf32> to vector<16xf32>
        %mul3A_304 = arith.mulf %get3A_303, %get3A_260 : vector<16xf32>
        %add3A_305 = arith.addf %scan3A_253, %mul3A_304 : vector<16xf32>
        %mul3A_306 = arith.constant 16 : i32
        %mul3A_307 = arith.muli %scan3A_248, %mul3A_306 : i32
        %get3A_308 = arith.constant 5 : i32
        %get3A_309 = arith.index_cast %get3A_308 : i32 to index
        %get3A_310 = arith.index_cast %mul3A_307 : i32 to index
        %get3A_311 = tpu.vector_load %arg6[%get3A_309, %get3A_310] {strides = array<i32>} : memref<8x4096xf32, #tpu.memory_space<vmem>>, vector<1x16xf32>,
        %get3A_312 = vector.shape_cast %get3A_311 : vector<1x16xf32> to vector<16xf32>
        %mul3A_313 = arith.mulf %get3A_312, %get3A_260 : vector<16xf32>
        %add3A_314 = arith.addf %scan3A_254, %mul3A_313 : vector<16xf32>
        %mul3A_315 = arith.constant 16 : i32
        %mul3A_316 = arith.muli %scan3A_248, %mul3A_315 : i32
        %get3A_317 = arith.constant 6 : i32
        %get3A_318 = arith.index_cast %get3A_317 : i32 to index
        %get3A_319 = arith.index_cast %mul3A_316 : i32 to index
        %get3A_320 = tpu.vector_load %arg6[%get3A_318, %get3A_319] {strides = array<i32>} : memref<8x4096xf32, #tpu.memory_space<vmem>>, vector<1x16xf32>,
        %get3A_321 = vector.shape_cast %get3A_320 : vector<1x16xf32> to vector<16xf32>
        %mul3A_322 = arith.mulf %get3A_321, %get3A_260 : vector<16xf32>
        %add3A_323 = arith.addf %scan3A_255, %mul3A_322 : vector<16xf32>
        %mul3A_324 = arith.constant 16 : i32
        %mul3A_325 = arith.muli %scan3A_248, %mul3A_324 : i32
        %get3A_326 = arith.constant 7 : i32
        %get3A_327 = arith.index_cast %get3A_326 : i32 to index
        %get3A_328 = arith.index_cast %mul3A_325 : i32 to index
        %get3A_329 = tpu.vector_load %arg6[%get3A_327, %get3A_328] {strides = array<i32>} : memref<8x4096xf32, #tpu.memory_space<vmem>>, vector<1x16xf32>,
        %get3A_330 = vector.shape_cast %get3A_329 : vector<1x16xf32> to vector<16xf32>
        %mul3A_331 = arith.mulf %get3A_330, %get3A_260 : vector<16xf32>
        %add3A_332 = arith.addf %scan3A_256, %mul3A_331 : vector<16xf32>
        %scan3A_333 = arith.constant 1 : i32
        %scan3A_334 = arith.addi %scan3A_248, %scan3A_333 : i32
        %mul3A_335 = arith.constant 16 : i32
        %mul3A_336 = arith.muli %scan3A_334, %mul3A_335 : i32
        %get3A_337 = arith.index_cast %mul3A_336 : i32 to index
        %get3A_338 = tpu.vector_load %arg5[%get3A_337] {strides = array<i32>} : memref<4096xf32, #tpu.memory_space<vmem>>, vector<16xf32>,
        %get3A_339 = vector.shape_cast %get3A_338 : vector<16xf32> to vector<16xf32>
        %mul3A_340 = arith.constant 16 : i32
        %mul3A_341 = arith.muli %scan3A_334, %mul3A_340 : i32
        %get3A_342 = arith.constant 0 : i32
        %get3A_343 = arith.index_cast %get3A_342 : i32 to index
        %get3A_344 = arith.index_cast %mul3A_341 : i32 to index
        %get3A_345 = tpu.vector_load %arg6[%get3A_343, %get3A_344] {strides = array<i32>} : memref<8x4096xf32, #tpu.memory_space<vmem>>, vector<1x16xf32>,
        %get3A_346 = vector.shape_cast %get3A_345 : vector<1x16xf32> to vector<16xf32>
        %mul3A_347 = arith.mulf %get3A_346, %get3A_339 : vector<16xf32>
        %add3A_348 = arith.addf %add3A_269, %mul3A_347 : vector<16xf32>
        %mul3A_349 = arith.constant 16 : i32
        %mul3A_350 = arith.muli %scan3A_334, %mul3A_349 : i32
        %get3A_351 = arith.constant 1 : i32
        %get3A_352 = arith.index_cast %get3A_351 : i32 to index
        %get3A_353 = arith.index_cast %mul3A_350 : i32 to index
        %get3A_354 = tpu.vector_load %arg6[%get3A_352, %get3A_353] {strides = array<i32>} : memref<8x4096xf32, #tpu.memory_space<vmem>>, vector<1x16xf32>,
        %get3A_355 = vector.shape_cast %get3A_354 : vector<1x16xf32> to vector<16xf32>
        %mul3A_356 = arith.mulf %get3A_355, %get3A_339 : vector<16xf32>
        %add3A_357 = arith.addf %add3A_278, %mul3A_356 : vector<16xf32>
        %mul3A_358 = arith.constant 16 : i32
        %mul3A_359 = arith.muli %scan3A_334, %mul3A_358 : i32
        %get3A_360 = arith.constant 2 : i32
        %get3A_361 = arith.index_cast %get3A_360 : i32 to index
        %get3A_362 = arith.index_cast %mul3A_359 : i32 to index
        %get3A_363 = tpu.vector_load %arg6[%get3A_361, %get3A_362] {strides = array<i32>} : memref<8x4096xf32, #tpu.memory_space<vmem>>, vector<1x16xf32>,
        %get3A_364 = vector.shape_cast %get3A_363 : vector<1x16xf32> to vector<16xf32>
        %mul3A_365 = arith.mulf %get3A_364, %get3A_339 : vector<16xf32>
        %add3A_366 = arith.addf %add3A_287, %mul3A_365 : vector<16xf32>
        %mul3A_367 = arith.constant 16 : i32
        %mul3A_368 = arith.muli %scan3A_334, %mul3A_367 : i32
        %get3A_369 = arith.constant 3 : i32
        %get3A_370 = arith.index_cast %get3A_369 : i32 to index
        %get3A_371 = arith.index_cast %mul3A_368 : i32 to index
        %get3A_372 = tpu.vector_load %arg6[%get3A_370, %get3A_371] {strides = array<i32>} : memref<8x4096xf32, #tpu.memory_space<vmem>>, vector<1x16xf32>,
        %get3A_373 = vector.shape_cast %get3A_372 : vector<1x16xf32> to vector<16xf32>
        %mul3A_374 = arith.mulf %get3A_373, %get3A_339 : vector<16xf32>
        %add3A_375 = arith.addf %add3A_296, %mul3A_374 : vector<16xf32>
        %mul3A_376 = arith.constant 16 : i32
        %mul3A_377 = arith.muli %scan3A_334, %mul3A_376 : i32
        %get3A_378 = arith.constant 4 : i32
        %get3A_379 = arith.index_cast %get3A_378 : i32 to index
        %get3A_380 = arith.index_cast %mul3A_377 : i32 to index
        %get3A_381 = tpu.vector_load %arg6[%get3A_379, %get3A_380] {strides = array<i32>} : memref<8x4096xf32, #tpu.memory_space<vmem>>, vector<1x16xf32>,
        %get3A_382 = vector.shape_cast %get3A_381 : vector<1x16xf32> to vector<16xf32>
        %mul3A_383 = arith.mulf %get3A_382, %get3A_339 : vector<16xf32>
        %add3A_384 = arith.addf %add3A_305, %mul3A_383 : vector<16xf32>
        %mul3A_385 = arith.constant 16 : i32
        %mul3A_386 = arith.muli %scan3A_334, %mul3A_385 : i32
        %get3A_387 = arith.constant 5 : i32
        %get3A_388 = arith.index_cast %get3A_387 : i32 to index
        %get3A_389 = arith.index_cast %mul3A_386 : i32 to index
        %get3A_390 = tpu.vector_load %arg6[%get3A_388, %get3A_389] {strides = array<i32>} : memref<8x4096xf32, #tpu.memory_space<vmem>>, vector<1x16xf32>,
        %get3A_391 = vector.shape_cast %get3A_390 : vector<1x16xf32> to vector<16xf32>
        %mul3A_392 = arith.mulf %get3A_391, %get3A_339 : vector<16xf32>
        %add3A_393 = arith.addf %add3A_314, %mul3A_392 : vector<16xf32>
        %mul3A_394 = arith.constant 16 : i32
        %mul3A_395 = arith.muli %scan3A_334, %mul3A_394 : i32
        %get3A_396 = arith.constant 6 : i32
        %get3A_397 = arith.index_cast %get3A_396 : i32 to index
        %get3A_398 = arith.index_cast %mul3A_395 : i32 to index
        %get3A_399 = tpu.vector_load %arg6[%get3A_397, %get3A_398] {strides = array<i32>} : memref<8x4096xf32, #tpu.memory_space<vmem>>, vector<1x16xf32>,
        %get3A_400 = vector.shape_cast %get3A_399 : vector<1x16xf32> to vector<16xf32>
        %mul3A_401 = arith.mulf %get3A_400, %get3A_339 : vector<16xf32>
        %add3A_402 = arith.addf %add3A_323, %mul3A_401 : vector<16xf32>
        %mul3A_403 = arith.constant 16 : i32
        %mul3A_404 = arith.muli %scan3A_334, %mul3A_403 : i32
        %get3A_405 = arith.constant 7 : i32
        %get3A_406 = arith.index_cast %get3A_405 : i32 to index
        %get3A_407 = arith.index_cast %mul3A_404 : i32 to index
        %get3A_408 = tpu.vector_load %arg6[%get3A_406, %get3A_407] {strides = array<i32>} : memref<8x4096xf32, #tpu.memory_space<vmem>>, vector<1x16xf32>,
        %get3A_409 = vector.shape_cast %get3A_408 : vector<1x16xf32> to vector<16xf32>
        %mul3A_410 = arith.mulf %get3A_409, %get3A_339 : vector<16xf32>
        %add3A_411 = arith.addf %add3A_332, %mul3A_410 : vector<16xf32>
        %scan3A_412 = arith.constant 2 : i32
        %scan3A_413 = arith.addi %scan3A_248, %scan3A_412 : i32
        %mul3A_414 = arith.constant 16 : i32
        %mul3A_415 = arith.muli %scan3A_413, %mul3A_414 : i32
        %get3A_416 = arith.index_cast %mul3A_415 : i32 to index
        %get3A_417 = tpu.vector_load %arg5[%get3A_416] {strides = array<i32>} : memref<4096xf32, #tpu.memory_space<vmem>>, vector<16xf32>,
        %get3A_418 = vector.shape_cast %get3A_417 : vector<16xf32> to vector<16xf32>
        %mul3A_419 = arith.constant 16 : i32
        %mul3A_420 = arith.muli %scan3A_413, %mul3A_419 : i32
        %get3A_421 = arith.constant 0 : i32
        %get3A_422 = arith.index_cast %get3A_421 : i32 to index
        %get3A_423 = arith.index_cast %mul3A_420 : i32 to index
        %get3A_424 = tpu.vector_load %arg6[%get3A_422, %get3A_423] {strides = array<i32>} : memref<8x4096xf32, #tpu.memory_space<vmem>>, vector<1x16xf32>,
        %get3A_425 = vector.shape_cast %get3A_424 : vector<1x16xf32> to vector<16xf32>
        %mul3A_426 = arith.mulf %get3A_425, %get3A_418 : vector<16xf32>
        %add3A_427 = arith.addf %add3A_348, %mul3A_426 : vector<16xf32>
        %mul3A_428 = arith.constant 16 : i32
        %mul3A_429 = arith.muli %scan3A_413, %mul3A_428 : i32
        %get3A_430 = arith.constant 1 : i32
        %get3A_431 = arith.index_cast %get3A_430 : i32 to index
        %get3A_432 = arith.index_cast %mul3A_429 : i32 to index
        %get3A_433 = tpu.vector_load %arg6[%get3A_431, %get3A_432] {strides = array<i32>} : memref<8x4096xf32, #tpu.memory_space<vmem>>, vector<1x16xf32>,
        %get3A_434 = vector.shape_cast %get3A_433 : vector<1x16xf32> to vector<16xf32>
        %mul3A_435 = arith.mulf %get3A_434, %get3A_418 : vector<16xf32>
        %add3A_436 = arith.addf %add3A_357, %mul3A_435 : vector<16xf32>
        %mul3A_437 = arith.constant 16 : i32
        %mul3A_438 = arith.muli %scan3A_413, %mul3A_437 : i32
        %get3A_439 = arith.constant 2 : i32
        %get3A_440 = arith.index_cast %get3A_439 : i32 to index
        %get3A_441 = arith.index_cast %mul3A_438 : i32 to index
        %get3A_442 = tpu.vector_load %arg6[%get3A_440, %get3A_441] {strides = array<i32>} : memref<8x4096xf32, #tpu.memory_space<vmem>>, vector<1x16xf32>,
        %get3A_443 = vector.shape_cast %get3A_442 : vector<1x16xf32> to vector<16xf32>
        %mul3A_444 = arith.mulf %get3A_443, %get3A_418 : vector<16xf32>
        %add3A_445 = arith.addf %add3A_366, %mul3A_444 : vector<16xf32>
        %mul3A_446 = arith.constant 16 : i32
        %mul3A_447 = arith.muli %scan3A_413, %mul3A_446 : i32
        %get3A_448 = arith.constant 3 : i32
        %get3A_449 = arith.index_cast %get3A_448 : i32 to index
        %get3A_450 = arith.index_cast %mul3A_447 : i32 to index
        %get3A_451 = tpu.vector_load %arg6[%get3A_449, %get3A_450] {strides = array<i32>} : memref<8x4096xf32, #tpu.memory_space<vmem>>, vector<1x16xf32>,
        %get3A_452 = vector.shape_cast %get3A_451 : vector<1x16xf32> to vector<16xf32>
        %mul3A_453 = arith.mulf %get3A_452, %get3A_418 : vector<16xf32>
        %add3A_454 = arith.addf %add3A_375, %mul3A_453 : vector<16xf32>
        %mul3A_455 = arith.constant 16 : i32
        %mul3A_456 = arith.muli %scan3A_413, %mul3A_455 : i32
        %get3A_457 = arith.constant 4 : i32
        %get3A_458 = arith.index_cast %get3A_457 : i32 to index
        %get3A_459 = arith.index_cast %mul3A_456 : i32 to index
        %get3A_460 = tpu.vector_load %arg6[%get3A_458, %get3A_459] {strides = array<i32>} : memref<8x4096xf32, #tpu.memory_space<vmem>>, vector<1x16xf32>,
        %get3A_461 = vector.shape_cast %get3A_460 : vector<1x16xf32> to vector<16xf32>
        %mul3A_462 = arith.mulf %get3A_461, %get3A_418 : vector<16xf32>
        %add3A_463 = arith.addf %add3A_384, %mul3A_462 : vector<16xf32>
        %mul3A_464 = arith.constant 16 : i32
        %mul3A_465 = arith.muli %scan3A_413, %mul3A_464 : i32
        %get3A_466 = arith.constant 5 : i32
        %get3A_467 = arith.index_cast %get3A_466 : i32 to index
        %get3A_468 = arith.index_cast %mul3A_465 : i32 to index
        %get3A_469 = tpu.vector_load %arg6[%get3A_467, %get3A_468] {strides = array<i32>} : memref<8x4096xf32, #tpu.memory_space<vmem>>, vector<1x16xf32>,
        %get3A_470 = vector.shape_cast %get3A_469 : vector<1x16xf32> to vector<16xf32>
        %mul3A_471 = arith.mulf %get3A_470, %get3A_418 : vector<16xf32>
        %add3A_472 = arith.addf %add3A_393, %mul3A_471 : vector<16xf32>
        %mul3A_473 = arith.constant 16 : i32
        %mul3A_474 = arith.muli %scan3A_413, %mul3A_473 : i32
        %get3A_475 = arith.constant 6 : i32
        %get3A_476 = arith.index_cast %get3A_475 : i32 to index
        %get3A_477 = arith.index_cast %mul3A_474 : i32 to index
        %get3A_478 = tpu.vector_load %arg6[%get3A_476, %get3A_477] {strides = array<i32>} : memref<8x4096xf32, #tpu.memory_space<vmem>>, vector<1x16xf32>,
        %get3A_479 = vector.shape_cast %get3A_478 : vector<1x16xf32> to vector<16xf32>
        %mul3A_480 = arith.mulf %get3A_479, %get3A_418 : vector<16xf32>
        %add3A_481 = arith.addf %add3A_402, %mul3A_480 : vector<16xf32>
        %mul3A_482 = arith.constant 16 : i32
        %mul3A_483 = arith.muli %scan3A_413, %mul3A_482 : i32
        %get3A_484 = arith.constant 7 : i32
        %get3A_485 = arith.index_cast %get3A_484 : i32 to index
        %get3A_486 = arith.index_cast %mul3A_483 : i32 to index
        %get3A_487 = tpu.vector_load %arg6[%get3A_485, %get3A_486] {strides = array<i32>} : memref<8x4096xf32, #tpu.memory_space<vmem>>, vector<1x16xf32>,
        %get3A_488 = vector.shape_cast %get3A_487 : vector<1x16xf32> to vector<16xf32>
        %mul3A_489 = arith.mulf %get3A_488, %get3A_418 : vector<16xf32>
        %add3A_490 = arith.addf %add3A_411, %mul3A_489 : vector<16xf32>
        %scan3A_491 = arith.constant 3 : i32
        %scan3A_492 = arith.addi %scan3A_248, %scan3A_491 : i32
        %mul3A_493 = arith.constant 16 : i32
        %mul3A_494 = arith.muli %scan3A_492, %mul3A_493 : i32
        %get3A_495 = arith.index_cast %mul3A_494 : i32 to index
        %get3A_496 = tpu.vector_load %arg5[%get3A_495] {strides = array<i32>} : memref<4096xf32, #tpu.memory_space<vmem>>, vector<16xf32>,
        %get3A_497 = vector.shape_cast %get3A_496 : vector<16xf32> to vector<16xf32>
        %mul3A_498 = arith.constant 16 : i32
        %mul3A_499 = arith.muli %scan3A_492, %mul3A_498 : i32
        %get3A_500 = arith.constant 0 : i32
        %get3A_501 = arith.index_cast %get3A_500 : i32 to index
        %get3A_502 = arith.index_cast %mul3A_499 : i32 to index
        %get3A_503 = tpu.vector_load %arg6[%get3A_501, %get3A_502] {strides = array<i32>} : memref<8x4096xf32, #tpu.memory_space<vmem>>, vector<1x16xf32>,
        %get3A_504 = vector.shape_cast %get3A_503 : vector<1x16xf32> to vector<16xf32>
        %mul3A_505 = arith.mulf %get3A_504, %get3A_497 : vector<16xf32>
        %add3A_506 = arith.addf %add3A_427, %mul3A_505 : vector<16xf32>
        %mul3A_507 = arith.constant 16 : i32
        %mul3A_508 = arith.muli %scan3A_492, %mul3A_507 : i32
        %get3A_509 = arith.constant 1 : i32
        %get3A_510 = arith.index_cast %get3A_509 : i32 to index
        %get3A_511 = arith.index_cast %mul3A_508 : i32 to index
        %get3A_512 = tpu.vector_load %arg6[%get3A_510, %get3A_511] {strides = array<i32>} : memref<8x4096xf32, #tpu.memory_space<vmem>>, vector<1x16xf32>,
        %get3A_513 = vector.shape_cast %get3A_512 : vector<1x16xf32> to vector<16xf32>
        %mul3A_514 = arith.mulf %get3A_513, %get3A_497 : vector<16xf32>
        %add3A_515 = arith.addf %add3A_436, %mul3A_514 : vector<16xf32>
        %mul3A_516 = arith.constant 16 : i32
        %mul3A_517 = arith.muli %scan3A_492, %mul3A_516 : i32
        %get3A_518 = arith.constant 2 : i32
        %get3A_519 = arith.index_cast %get3A_518 : i32 to index
        %get3A_520 = arith.index_cast %mul3A_517 : i32 to index
        %get3A_521 = tpu.vector_load %arg6[%get3A_519, %get3A_520] {strides = array<i32>} : memref<8x4096xf32, #tpu.memory_space<vmem>>, vector<1x16xf32>,
        %get3A_522 = vector.shape_cast %get3A_521 : vector<1x16xf32> to vector<16xf32>
        %mul3A_523 = arith.mulf %get3A_522, %get3A_497 : vector<16xf32>
        %add3A_524 = arith.addf %add3A_445, %mul3A_523 : vector<16xf32>
        %mul3A_525 = arith.constant 16 : i32
        %mul3A_526 = arith.muli %scan3A_492, %mul3A_525 : i32
        %get3A_527 = arith.constant 3 : i32
        %get3A_528 = arith.index_cast %get3A_527 : i32 to index
        %get3A_529 = arith.index_cast %mul3A_526 : i32 to index
        %get3A_530 = tpu.vector_load %arg6[%get3A_528, %get3A_529] {strides = array<i32>} : memref<8x4096xf32, #tpu.memory_space<vmem>>, vector<1x16xf32>,
        %get3A_531 = vector.shape_cast %get3A_530 : vector<1x16xf32> to vector<16xf32>
        %mul3A_532 = arith.mulf %get3A_531, %get3A_497 : vector<16xf32>
        %add3A_533 = arith.addf %add3A_454, %mul3A_532 : vector<16xf32>
        %mul3A_534 = arith.constant 16 : i32
        %mul3A_535 = arith.muli %scan3A_492, %mul3A_534 : i32
        %get3A_536 = arith.constant 4 : i32
        %get3A_537 = arith.index_cast %get3A_536 : i32 to index
        %get3A_538 = arith.index_cast %mul3A_535 : i32 to index
        %get3A_539 = tpu.vector_load %arg6[%get3A_537, %get3A_538] {strides = array<i32>} : memref<8x4096xf32, #tpu.memory_space<vmem>>, vector<1x16xf32>,
        %get3A_540 = vector.shape_cast %get3A_539 : vector<1x16xf32> to vector<16xf32>
        %mul3A_541 = arith.mulf %get3A_540, %get3A_497 : vector<16xf32>
        %add3A_542 = arith.addf %add3A_463, %mul3A_541 : vector<16xf32>
        %mul3A_543 = arith.constant 16 : i32
        %mul3A_544 = arith.muli %scan3A_492, %mul3A_543 : i32
        %get3A_545 = arith.constant 5 : i32
        %get3A_546 = arith.index_cast %get3A_545 : i32 to index
        %get3A_547 = arith.index_cast %mul3A_544 : i32 to index
        %get3A_548 = tpu.vector_load %arg6[%get3A_546, %get3A_547] {strides = array<i32>} : memref<8x4096xf32, #tpu.memory_space<vmem>>, vector<1x16xf32>,
        %get3A_549 = vector.shape_cast %get3A_548 : vector<1x16xf32> to vector<16xf32>
        %mul3A_550 = arith.mulf %get3A_549, %get3A_497 : vector<16xf32>
        %add3A_551 = arith.addf %add3A_472, %mul3A_550 : vector<16xf32>
        %mul3A_552 = arith.constant 16 : i32
        %mul3A_553 = arith.muli %scan3A_492, %mul3A_552 : i32
        %get3A_554 = arith.constant 6 : i32
        %get3A_555 = arith.index_cast %get3A_554 : i32 to index
        %get3A_556 = arith.index_cast %mul3A_553 : i32 to index
        %get3A_557 = tpu.vector_load %arg6[%get3A_555, %get3A_556] {strides = array<i32>} : memref<8x4096xf32, #tpu.memory_space<vmem>>, vector<1x16xf32>,
        %get3A_558 = vector.shape_cast %get3A_557 : vector<1x16xf32> to vector<16xf32>
        %mul3A_559 = arith.mulf %get3A_558, %get3A_497 : vector<16xf32>
        %add3A_560 = arith.addf %add3A_481, %mul3A_559 : vector<16xf32>
        %mul3A_561 = arith.constant 16 : i32
        %mul3A_562 = arith.muli %scan3A_492, %mul3A_561 : i32
        %get3A_563 = arith.constant 7 : i32
        %get3A_564 = arith.index_cast %get3A_563 : i32 to index
        %get3A_565 = arith.index_cast %mul3A_562 : i32 to index
        %get3A_566 = tpu.vector_load %arg6[%get3A_564, %get3A_565] {strides = array<i32>} : memref<8x4096xf32, #tpu.memory_space<vmem>>, vector<1x16xf32>,
        %get3A_567 = vector.shape_cast %get3A_566 : vector<1x16xf32> to vector<16xf32>
        %mul3A_568 = arith.mulf %get3A_567, %get3A_497 : vector<16xf32>
        %add3A_569 = arith.addf %add3A_490, %mul3A_568 : vector<16xf32>
        %scan3A_570 = arith.constant 4 : i32
        %scan3A_571 = arith.addi %scan3A_248, %scan3A_570 : i32
        %mul3A_572 = arith.constant 16 : i32
        %mul3A_573 = arith.muli %scan3A_571, %mul3A_572 : i32
        %get3A_574 = arith.index_cast %mul3A_573 : i32 to index
        %get3A_575 = tpu.vector_load %arg5[%get3A_574] {strides = array<i32>} : memref<4096xf32, #tpu.memory_space<vmem>>, vector<16xf32>,
        %get3A_576 = vector.shape_cast %get3A_575 : vector<16xf32> to vector<16xf32>
        %mul3A_577 = arith.constant 16 : i32
        %mul3A_578 = arith.muli %scan3A_571, %mul3A_577 : i32
        %get3A_579 = arith.constant 0 : i32
        %get3A_580 = arith.index_cast %get3A_579 : i32 to index
        %get3A_581 = arith.index_cast %mul3A_578 : i32 to index
        %get3A_582 = tpu.vector_load %arg6[%get3A_580, %get3A_581] {strides = array<i32>} : memref<8x4096xf32, #tpu.memory_space<vmem>>, vector<1x16xf32>,
        %get3A_583 = vector.shape_cast %get3A_582 : vector<1x16xf32> to vector<16xf32>
        %mul3A_584 = arith.mulf %get3A_583, %get3A_576 : vector<16xf32>
        %add3A_585 = arith.addf %add3A_506, %mul3A_584 : vector<16xf32>
        %mul3A_586 = arith.constant 16 : i32
        %mul3A_587 = arith.muli %scan3A_571, %mul3A_586 : i32
        %get3A_588 = arith.constant 1 : i32
        %get3A_589 = arith.index_cast %get3A_588 : i32 to index
        %get3A_590 = arith.index_cast %mul3A_587 : i32 to index
        %get3A_591 = tpu.vector_load %arg6[%get3A_589, %get3A_590] {strides = array<i32>} : memref<8x4096xf32, #tpu.memory_space<vmem>>, vector<1x16xf32>,
        %get3A_592 = vector.shape_cast %get3A_591 : vector<1x16xf32> to vector<16xf32>
        %mul3A_593 = arith.mulf %get3A_592, %get3A_576 : vector<16xf32>
        %add3A_594 = arith.addf %add3A_515, %mul3A_593 : vector<16xf32>
        %mul3A_595 = arith.constant 16 : i32
        %mul3A_596 = arith.muli %scan3A_571, %mul3A_595 : i32
        %get3A_597 = arith.constant 2 : i32
        %get3A_598 = arith.index_cast %get3A_597 : i32 to index
        %get3A_599 = arith.index_cast %mul3A_596 : i32 to index
        %get3A_600 = tpu.vector_load %arg6[%get3A_598, %get3A_599] {strides = array<i32>} : memref<8x4096xf32, #tpu.memory_space<vmem>>, vector<1x16xf32>,
        %get3A_601 = vector.shape_cast %get3A_600 : vector<1x16xf32> to vector<16xf32>
        %mul3A_602 = arith.mulf %get3A_601, %get3A_576 : vector<16xf32>
        %add3A_603 = arith.addf %add3A_524, %mul3A_602 : vector<16xf32>
        %mul3A_604 = arith.constant 16 : i32
        %mul3A_605 = arith.muli %scan3A_571, %mul3A_604 : i32
        %get3A_606 = arith.constant 3 : i32
        %get3A_607 = arith.index_cast %get3A_606 : i32 to index
        %get3A_608 = arith.index_cast %mul3A_605 : i32 to index
        %get3A_609 = tpu.vector_load %arg6[%get3A_607, %get3A_608] {strides = array<i32>} : memref<8x4096xf32, #tpu.memory_space<vmem>>, vector<1x16xf32>,
        %get3A_610 = vector.shape_cast %get3A_609 : vector<1x16xf32> to vector<16xf32>
        %mul3A_611 = arith.mulf %get3A_610, %get3A_576 : vector<16xf32>
        %add3A_612 = arith.addf %add3A_533, %mul3A_611 : vector<16xf32>
        %mul3A_613 = arith.constant 16 : i32
        %mul3A_614 = arith.muli %scan3A_571, %mul3A_613 : i32
        %get3A_615 = arith.constant 4 : i32
        %get3A_616 = arith.index_cast %get3A_615 : i32 to index
        %get3A_617 = arith.index_cast %mul3A_614 : i32 to index
        %get3A_618 = tpu.vector_load %arg6[%get3A_616, %get3A_617] {strides = array<i32>} : memref<8x4096xf32, #tpu.memory_space<vmem>>, vector<1x16xf32>,
        %get3A_619 = vector.shape_cast %get3A_618 : vector<1x16xf32> to vector<16xf32>
        %mul3A_620 = arith.mulf %get3A_619, %get3A_576 : vector<16xf32>
        %add3A_621 = arith.addf %add3A_542, %mul3A_620 : vector<16xf32>
        %mul3A_622 = arith.constant 16 : i32
        %mul3A_623 = arith.muli %scan3A_571, %mul3A_622 : i32
        %get3A_624 = arith.constant 5 : i32
        %get3A_625 = arith.index_cast %get3A_624 : i32 to index
        %get3A_626 = arith.index_cast %mul3A_623 : i32 to index
        %get3A_627 = tpu.vector_load %arg6[%get3A_625, %get3A_626] {strides = array<i32>} : memref<8x4096xf32, #tpu.memory_space<vmem>>, vector<1x16xf32>,
        %get3A_628 = vector.shape_cast %get3A_627 : vector<1x16xf32> to vector<16xf32>
        %mul3A_629 = arith.mulf %get3A_628, %get3A_576 : vector<16xf32>
        %add3A_630 = arith.addf %add3A_551, %mul3A_629 : vector<16xf32>
        %mul3A_631 = arith.constant 16 : i32
        %mul3A_632 = arith.muli %scan3A_571, %mul3A_631 : i32
        %get3A_633 = arith.constant 6 : i32
        %get3A_634 = arith.index_cast %get3A_633 : i32 to index
        %get3A_635 = arith.index_cast %mul3A_632 : i32 to index
        %get3A_636 = tpu.vector_load %arg6[%get3A_634, %get3A_635] {strides = array<i32>} : memref<8x4096xf32, #tpu.memory_space<vmem>>, vector<1x16xf32>,
        %get3A_637 = vector.shape_cast %get3A_636 : vector<1x16xf32> to vector<16xf32>
        %mul3A_638 = arith.mulf %get3A_637, %get3A_576 : vector<16xf32>
        %add3A_639 = arith.addf %add3A_560, %mul3A_638 : vector<16xf32>
        %mul3A_640 = arith.constant 16 : i32
        %mul3A_641 = arith.muli %scan3A_571, %mul3A_640 : i32
        %get3A_642 = arith.constant 7 : i32
        %get3A_643 = arith.index_cast %get3A_642 : i32 to index
        %get3A_644 = arith.index_cast %mul3A_641 : i32 to index
        %get3A_645 = tpu.vector_load %arg6[%get3A_643, %get3A_644] {strides = array<i32>} : memref<8x4096xf32, #tpu.memory_space<vmem>>, vector<1x16xf32>,
        %get3A_646 = vector.shape_cast %get3A_645 : vector<1x16xf32> to vector<16xf32>
        %mul3A_647 = arith.mulf %get3A_646, %get3A_576 : vector<16xf32>
        %add3A_648 = arith.addf %add3A_569, %mul3A_647 : vector<16xf32>
        %scan3A_649 = arith.constant 5 : i32
        %scan3A_650 = arith.addi %scan3A_248, %scan3A_649 : i32
        %mul3A_651 = arith.constant 16 : i32
        %mul3A_652 = arith.muli %scan3A_650, %mul3A_651 : i32
        %get3A_653 = arith.index_cast %mul3A_652 : i32 to index
        %get3A_654 = tpu.vector_load %arg5[%get3A_653] {strides = array<i32>} : memref<4096xf32, #tpu.memory_space<vmem>>, vector<16xf32>,
        %get3A_655 = vector.shape_cast %get3A_654 : vector<16xf32> to vector<16xf32>
        %mul3A_656 = arith.constant 16 : i32
        %mul3A_657 = arith.muli %scan3A_650, %mul3A_656 : i32
        %get3A_658 = arith.constant 0 : i32
        %get3A_659 = arith.index_cast %get3A_658 : i32 to index
        %get3A_660 = arith.index_cast %mul3A_657 : i32 to index
        %get3A_661 = tpu.vector_load %arg6[%get3A_659, %get3A_660] {strides = array<i32>} : memref<8x4096xf32, #tpu.memory_space<vmem>>, vector<1x16xf32>,
        %get3A_662 = vector.shape_cast %get3A_661 : vector<1x16xf32> to vector<16xf32>
        %mul3A_663 = arith.mulf %get3A_662, %get3A_655 : vector<16xf32>
        %add3A_664 = arith.addf %add3A_585, %mul3A_663 : vector<16xf32>
        %mul3A_665 = arith.constant 16 : i32
        %mul3A_666 = arith.muli %scan3A_650, %mul3A_665 : i32
        %get3A_667 = arith.constant 1 : i32
        %get3A_668 = arith.index_cast %get3A_667 : i32 to index
        %get3A_669 = arith.index_cast %mul3A_666 : i32 to index
        %get3A_670 = tpu.vector_load %arg6[%get3A_668, %get3A_669] {strides = array<i32>} : memref<8x4096xf32, #tpu.memory_space<vmem>>, vector<1x16xf32>,
        %get3A_671 = vector.shape_cast %get3A_670 : vector<1x16xf32> to vector<16xf32>
        %mul3A_672 = arith.mulf %get3A_671, %get3A_655 : vector<16xf32>
        %add3A_673 = arith.addf %add3A_594, %mul3A_672 : vector<16xf32>
        %mul3A_674 = arith.constant 16 : i32
        %mul3A_675 = arith.muli %scan3A_650, %mul3A_674 : i32
        %get3A_676 = arith.constant 2 : i32
        %get3A_677 = arith.index_cast %get3A_676 : i32 to index
        %get3A_678 = arith.index_cast %mul3A_675 : i32 to index
        %get3A_679 = tpu.vector_load %arg6[%get3A_677, %get3A_678] {strides = array<i32>} : memref<8x4096xf32, #tpu.memory_space<vmem>>, vector<1x16xf32>,
        %get3A_680 = vector.shape_cast %get3A_679 : vector<1x16xf32> to vector<16xf32>
        %mul3A_681 = arith.mulf %get3A_680, %get3A_655 : vector<16xf32>
        %add3A_682 = arith.addf %add3A_603, %mul3A_681 : vector<16xf32>
        %mul3A_683 = arith.constant 16 : i32
        %mul3A_684 = arith.muli %scan3A_650, %mul3A_683 : i32
        %get3A_685 = arith.constant 3 : i32
        %get3A_686 = arith.index_cast %get3A_685 : i32 to index
        %get3A_687 = arith.index_cast %mul3A_684 : i32 to index
        %get3A_688 = tpu.vector_load %arg6[%get3A_686, %get3A_687] {strides = array<i32>} : memref<8x4096xf32, #tpu.memory_space<vmem>>, vector<1x16xf32>,
        %get3A_689 = vector.shape_cast %get3A_688 : vector<1x16xf32> to vector<16xf32>
        %mul3A_690 = arith.mulf %get3A_689, %get3A_655 : vector<16xf32>
        %add3A_691 = arith.addf %add3A_612, %mul3A_690 : vector<16xf32>
        %mul3A_692 = arith.constant 16 : i32
        %mul3A_693 = arith.muli %scan3A_650, %mul3A_692 : i32
        %get3A_694 = arith.constant 4 : i32
        %get3A_695 = arith.index_cast %get3A_694 : i32 to index
        %get3A_696 = arith.index_cast %mul3A_693 : i32 to index
        %get3A_697 = tpu.vector_load %arg6[%get3A_695, %get3A_696] {strides = array<i32>} : memref<8x4096xf32, #tpu.memory_space<vmem>>, vector<1x16xf32>,
        %get3A_698 = vector.shape_cast %get3A_697 : vector<1x16xf32> to vector<16xf32>
        %mul3A_699 = arith.mulf %get3A_698, %get3A_655 : vector<16xf32>
        %add3A_700 = arith.addf %add3A_621, %mul3A_699 : vector<16xf32>
        %mul3A_701 = arith.constant 16 : i32
        %mul3A_702 = arith.muli %scan3A_650, %mul3A_701 : i32
        %get3A_703 = arith.constant 5 : i32
        %get3A_704 = arith.index_cast %get3A_703 : i32 to index
        %get3A_705 = arith.index_cast %mul3A_702 : i32 to index
        %get3A_706 = tpu.vector_load %arg6[%get3A_704, %get3A_705] {strides = array<i32>} : memref<8x4096xf32, #tpu.memory_space<vmem>>, vector<1x16xf32>,
        %get3A_707 = vector.shape_cast %get3A_706 : vector<1x16xf32> to vector<16xf32>
        %mul3A_708 = arith.mulf %get3A_707, %get3A_655 : vector<16xf32>
        %add3A_709 = arith.addf %add3A_630, %mul3A_708 : vector<16xf32>
        %mul3A_710 = arith.constant 16 : i32
        %mul3A_711 = arith.muli %scan3A_650, %mul3A_710 : i32
        %get3A_712 = arith.constant 6 : i32
        %get3A_713 = arith.index_cast %get3A_712 : i32 to index
        %get3A_714 = arith.index_cast %mul3A_711 : i32 to index
        %get3A_715 = tpu.vector_load %arg6[%get3A_713, %get3A_714] {strides = array<i32>} : memref<8x4096xf32, #tpu.memory_space<vmem>>, vector<1x16xf32>,
        %get3A_716 = vector.shape_cast %get3A_715 : vector<1x16xf32> to vector<16xf32>
        %mul3A_717 = arith.mulf %get3A_716, %get3A_655 : vector<16xf32>
        %add3A_718 = arith.addf %add3A_639, %mul3A_717 : vector<16xf32>
        %mul3A_719 = arith.constant 16 : i32
        %mul3A_720 = arith.muli %scan3A_650, %mul3A_719 : i32
        %get3A_721 = arith.constant 7 : i32
        %get3A_722 = arith.index_cast %get3A_721 : i32 to index
        %get3A_723 = arith.index_cast %mul3A_720 : i32 to index
        %get3A_724 = tpu.vector_load %arg6[%get3A_722, %get3A_723] {strides = array<i32>} : memref<8x4096xf32, #tpu.memory_space<vmem>>, vector<1x16xf32>,
        %get3A_725 = vector.shape_cast %get3A_724 : vector<1x16xf32> to vector<16xf32>
        %mul3A_726 = arith.mulf %get3A_725, %get3A_655 : vector<16xf32>
        %add3A_727 = arith.addf %add3A_648, %mul3A_726 : vector<16xf32>
        %scan3A_728 = arith.constant 6 : i32
        %scan3A_729 = arith.addi %scan3A_248, %scan3A_728 : i32
        %mul3A_730 = arith.constant 16 : i32
        %mul3A_731 = arith.muli %scan3A_729, %mul3A_730 : i32
        %get3A_732 = arith.index_cast %mul3A_731 : i32 to index
        %get3A_733 = tpu.vector_load %arg5[%get3A_732] {strides = array<i32>} : memref<4096xf32, #tpu.memory_space<vmem>>, vector<16xf32>,
        %get3A_734 = vector.shape_cast %get3A_733 : vector<16xf32> to vector<16xf32>
        %mul3A_735 = arith.constant 16 : i32
        %mul3A_736 = arith.muli %scan3A_729, %mul3A_735 : i32
        %get3A_737 = arith.constant 0 : i32
        %get3A_738 = arith.index_cast %get3A_737 : i32 to index
        %get3A_739 = arith.index_cast %mul3A_736 : i32 to index
        %get3A_740 = tpu.vector_load %arg6[%get3A_738, %get3A_739] {strides = array<i32>} : memref<8x4096xf32, #tpu.memory_space<vmem>>, vector<1x16xf32>,
        %get3A_741 = vector.shape_cast %get3A_740 : vector<1x16xf32> to vector<16xf32>
        %mul3A_742 = arith.mulf %get3A_741, %get3A_734 : vector<16xf32>
        %add3A_743 = arith.addf %add3A_664, %mul3A_742 : vector<16xf32>
        %mul3A_744 = arith.constant 16 : i32
        %mul3A_745 = arith.muli %scan3A_729, %mul3A_744 : i32
        %get3A_746 = arith.constant 1 : i32
        %get3A_747 = arith.index_cast %get3A_746 : i32 to index
        %get3A_748 = arith.index_cast %mul3A_745 : i32 to index
        %get3A_749 = tpu.vector_load %arg6[%get3A_747, %get3A_748] {strides = array<i32>} : memref<8x4096xf32, #tpu.memory_space<vmem>>, vector<1x16xf32>,
        %get3A_750 = vector.shape_cast %get3A_749 : vector<1x16xf32> to vector<16xf32>
        %mul3A_751 = arith.mulf %get3A_750, %get3A_734 : vector<16xf32>
        %add3A_752 = arith.addf %add3A_673, %mul3A_751 : vector<16xf32>
        %mul3A_753 = arith.constant 16 : i32
        %mul3A_754 = arith.muli %scan3A_729, %mul3A_753 : i32
        %get3A_755 = arith.constant 2 : i32
        %get3A_756 = arith.index_cast %get3A_755 : i32 to index
        %get3A_757 = arith.index_cast %mul3A_754 : i32 to index
        %get3A_758 = tpu.vector_load %arg6[%get3A_756, %get3A_757] {strides = array<i32>} : memref<8x4096xf32, #tpu.memory_space<vmem>>, vector<1x16xf32>,
        %get3A_759 = vector.shape_cast %get3A_758 : vector<1x16xf32> to vector<16xf32>
        %mul3A_760 = arith.mulf %get3A_759, %get3A_734 : vector<16xf32>
        %add3A_761 = arith.addf %add3A_682, %mul3A_760 : vector<16xf32>
        %mul3A_762 = arith.constant 16 : i32
        %mul3A_763 = arith.muli %scan3A_729, %mul3A_762 : i32
        %get3A_764 = arith.constant 3 : i32
        %get3A_765 = arith.index_cast %get3A_764 : i32 to index
        %get3A_766 = arith.index_cast %mul3A_763 : i32 to index
        %get3A_767 = tpu.vector_load %arg6[%get3A_765, %get3A_766] {strides = array<i32>} : memref<8x4096xf32, #tpu.memory_space<vmem>>, vector<1x16xf32>,
        %get3A_768 = vector.shape_cast %get3A_767 : vector<1x16xf32> to vector<16xf32>
        %mul3A_769 = arith.mulf %get3A_768, %get3A_734 : vector<16xf32>
        %add3A_770 = arith.addf %add3A_691, %mul3A_769 : vector<16xf32>
        %mul3A_771 = arith.constant 16 : i32
        %mul3A_772 = arith.muli %scan3A_729, %mul3A_771 : i32
        %get3A_773 = arith.constant 4 : i32
        %get3A_774 = arith.index_cast %get3A_773 : i32 to index
        %get3A_775 = arith.index_cast %mul3A_772 : i32 to index
        %get3A_776 = tpu.vector_load %arg6[%get3A_774, %get3A_775] {strides = array<i32>} : memref<8x4096xf32, #tpu.memory_space<vmem>>, vector<1x16xf32>,
        %get3A_777 = vector.shape_cast %get3A_776 : vector<1x16xf32> to vector<16xf32>
        %mul3A_778 = arith.mulf %get3A_777, %get3A_734 : vector<16xf32>
        %add3A_779 = arith.addf %add3A_700, %mul3A_778 : vector<16xf32>
        %mul3A_780 = arith.constant 16 : i32
        %mul3A_781 = arith.muli %scan3A_729, %mul3A_780 : i32
        %get3A_782 = arith.constant 5 : i32
        %get3A_783 = arith.index_cast %get3A_782 : i32 to index
        %get3A_784 = arith.index_cast %mul3A_781 : i32 to index
        %get3A_785 = tpu.vector_load %arg6[%get3A_783, %get3A_784] {strides = array<i32>} : memref<8x4096xf32, #tpu.memory_space<vmem>>, vector<1x16xf32>,
        %get3A_786 = vector.shape_cast %get3A_785 : vector<1x16xf32> to vector<16xf32>
        %mul3A_787 = arith.mulf %get3A_786, %get3A_734 : vector<16xf32>
        %add3A_788 = arith.addf %add3A_709, %mul3A_787 : vector<16xf32>
        %mul3A_789 = arith.constant 16 : i32
        %mul3A_790 = arith.muli %scan3A_729, %mul3A_789 : i32
        %get3A_791 = arith.constant 6 : i32
        %get3A_792 = arith.index_cast %get3A_791 : i32 to index
        %get3A_793 = arith.index_cast %mul3A_790 : i32 to index
        %get3A_794 = tpu.vector_load %arg6[%get3A_792, %get3A_793] {strides = array<i32>} : memref<8x4096xf32, #tpu.memory_space<vmem>>, vector<1x16xf32>,
        %get3A_795 = vector.shape_cast %get3A_794 : vector<1x16xf32> to vector<16xf32>
        %mul3A_796 = arith.mulf %get3A_795, %get3A_734 : vector<16xf32>
        %add3A_797 = arith.addf %add3A_718, %mul3A_796 : vector<16xf32>
        %mul3A_798 = arith.constant 16 : i32
        %mul3A_799 = arith.muli %scan3A_729, %mul3A_798 : i32
        %get3A_800 = arith.constant 7 : i32
        %get3A_801 = arith.index_cast %get3A_800 : i32 to index
        %get3A_802 = arith.index_cast %mul3A_799 : i32 to index
        %get3A_803 = tpu.vector_load %arg6[%get3A_801, %get3A_802] {strides = array<i32>} : memref<8x4096xf32, #tpu.memory_space<vmem>>, vector<1x16xf32>,
        %get3A_804 = vector.shape_cast %get3A_803 : vector<1x16xf32> to vector<16xf32>
        %mul3A_805 = arith.mulf %get3A_804, %get3A_734 : vector<16xf32>
        %add3A_806 = arith.addf %add3A_727, %mul3A_805 : vector<16xf32>
        %scan3A_807 = arith.constant 7 : i32
        %scan3A_808 = arith.addi %scan3A_248, %scan3A_807 : i32
        %mul3A_809 = arith.constant 16 : i32
        %mul3A_810 = arith.muli %scan3A_808, %mul3A_809 : i32
        %get3A_811 = arith.index_cast %mul3A_810 : i32 to index
        %get3A_812 = tpu.vector_load %arg5[%get3A_811] {strides = array<i32>} : memref<4096xf32, #tpu.memory_space<vmem>>, vector<16xf32>,
        %get3A_813 = vector.shape_cast %get3A_812 : vector<16xf32> to vector<16xf32>
        %mul3A_814 = arith.constant 16 : i32
        %mul3A_815 = arith.muli %scan3A_808, %mul3A_814 : i32
        %get3A_816 = arith.constant 0 : i32
        %get3A_817 = arith.index_cast %get3A_816 : i32 to index
        %get3A_818 = arith.index_cast %mul3A_815 : i32 to index
        %get3A_819 = tpu.vector_load %arg6[%get3A_817, %get3A_818] {strides = array<i32>} : memref<8x4096xf32, #tpu.memory_space<vmem>>, vector<1x16xf32>,
        %get3A_820 = vector.shape_cast %get3A_819 : vector<1x16xf32> to vector<16xf32>
        %mul3A_821 = arith.mulf %get3A_820, %get3A_813 : vector<16xf32>
        %add3A_822 = arith.addf %add3A_743, %mul3A_821 : vector<16xf32>
        %mul3A_823 = arith.constant 16 : i32
        %mul3A_824 = arith.muli %scan3A_808, %mul3A_823 : i32
        %get3A_825 = arith.constant 1 : i32
        %get3A_826 = arith.index_cast %get3A_825 : i32 to index
        %get3A_827 = arith.index_cast %mul3A_824 : i32 to index
        %get3A_828 = tpu.vector_load %arg6[%get3A_826, %get3A_827] {strides = array<i32>} : memref<8x4096xf32, #tpu.memory_space<vmem>>, vector<1x16xf32>,
        %get3A_829 = vector.shape_cast %get3A_828 : vector<1x16xf32> to vector<16xf32>
        %mul3A_830 = arith.mulf %get3A_829, %get3A_813 : vector<16xf32>
        %add3A_831 = arith.addf %add3A_752, %mul3A_830 : vector<16xf32>
        %mul3A_832 = arith.constant 16 : i32
        %mul3A_833 = arith.muli %scan3A_808, %mul3A_832 : i32
        %get3A_834 = arith.constant 2 : i32
        %get3A_835 = arith.index_cast %get3A_834 : i32 to index
        %get3A_836 = arith.index_cast %mul3A_833 : i32 to index
        %get3A_837 = tpu.vector_load %arg6[%get3A_835, %get3A_836] {strides = array<i32>} : memref<8x4096xf32, #tpu.memory_space<vmem>>, vector<1x16xf32>,
        %get3A_838 = vector.shape_cast %get3A_837 : vector<1x16xf32> to vector<16xf32>
        %mul3A_839 = arith.mulf %get3A_838, %get3A_813 : vector<16xf32>
        %add3A_840 = arith.addf %add3A_761, %mul3A_839 : vector<16xf32>
        %mul3A_841 = arith.constant 16 : i32
        %mul3A_842 = arith.muli %scan3A_808, %mul3A_841 : i32
        %get3A_843 = arith.constant 3 : i32
        %get3A_844 = arith.index_cast %get3A_843 : i32 to index
        %get3A_845 = arith.index_cast %mul3A_842 : i32 to index
        %get3A_846 = tpu.vector_load %arg6[%get3A_844, %get3A_845] {strides = array<i32>} : memref<8x4096xf32, #tpu.memory_space<vmem>>, vector<1x16xf32>,
        %get3A_847 = vector.shape_cast %get3A_846 : vector<1x16xf32> to vector<16xf32>
        %mul3A_848 = arith.mulf %get3A_847, %get3A_813 : vector<16xf32>
        %add3A_849 = arith.addf %add3A_770, %mul3A_848 : vector<16xf32>
        %mul3A_850 = arith.constant 16 : i32
        %mul3A_851 = arith.muli %scan3A_808, %mul3A_850 : i32
        %get3A_852 = arith.constant 4 : i32
        %get3A_853 = arith.index_cast %get3A_852 : i32 to index
        %get3A_854 = arith.index_cast %mul3A_851 : i32 to index
        %get3A_855 = tpu.vector_load %arg6[%get3A_853, %get3A_854] {strides = array<i32>} : memref<8x4096xf32, #tpu.memory_space<vmem>>, vector<1x16xf32>,
        %get3A_856 = vector.shape_cast %get3A_855 : vector<1x16xf32> to vector<16xf32>
        %mul3A_857 = arith.mulf %get3A_856, %get3A_813 : vector<16xf32>
        %add3A_858 = arith.addf %add3A_779, %mul3A_857 : vector<16xf32>
        %mul3A_859 = arith.constant 16 : i32
        %mul3A_860 = arith.muli %scan3A_808, %mul3A_859 : i32
        %get3A_861 = arith.constant 5 : i32
        %get3A_862 = arith.index_cast %get3A_861 : i32 to index
        %get3A_863 = arith.index_cast %mul3A_860 : i32 to index
        %get3A_864 = tpu.vector_load %arg6[%get3A_862, %get3A_863] {strides = array<i32>} : memref<8x4096xf32, #tpu.memory_space<vmem>>, vector<1x16xf32>,
        %get3A_865 = vector.shape_cast %get3A_864 : vector<1x16xf32> to vector<16xf32>
        %mul3A_866 = arith.mulf %get3A_865, %get3A_813 : vector<16xf32>
        %add3A_867 = arith.addf %add3A_788, %mul3A_866 : vector<16xf32>
        %mul3A_868 = arith.constant 16 : i32
        %mul3A_869 = arith.muli %scan3A_808, %mul3A_868 : i32
        %get3A_870 = arith.constant 6 : i32
        %get3A_871 = arith.index_cast %get3A_870 : i32 to index
        %get3A_872 = arith.index_cast %mul3A_869 : i32 to index
        %get3A_873 = tpu.vector_load %arg6[%get3A_871, %get3A_872] {strides = array<i32>} : memref<8x4096xf32, #tpu.memory_space<vmem>>, vector<1x16xf32>,
        %get3A_874 = vector.shape_cast %get3A_873 : vector<1x16xf32> to vector<16xf32>
        %mul3A_875 = arith.mulf %get3A_874, %get3A_813 : vector<16xf32>
        %add3A_876 = arith.addf %add3A_797, %mul3A_875 : vector<16xf32>
        %mul3A_877 = arith.constant 16 : i32
        %mul3A_878 = arith.muli %scan3A_808, %mul3A_877 : i32
        %get3A_879 = arith.constant 7 : i32
        %get3A_880 = arith.index_cast %get3A_879 : i32 to index
        %get3A_881 = arith.index_cast %mul3A_878 : i32 to index
        %get3A_882 = tpu.vector_load %arg6[%get3A_880, %get3A_881] {strides = array<i32>} : memref<8x4096xf32, #tpu.memory_space<vmem>>, vector<1x16xf32>,
        %get3A_883 = vector.shape_cast %get3A_882 : vector<1x16xf32> to vector<16xf32>
        %mul3A_884 = arith.mulf %get3A_883, %get3A_813 : vector<16xf32>
        %add3A_885 = arith.addf %add3A_806, %mul3A_884 : vector<16xf32>
        scf.yield %add3A_822, %add3A_831, %add3A_840, %add3A_849, %add3A_858, %add3A_867, %add3A_876, %add3A_885 : vector<16xf32>, vector<16xf32>, vector<16xf32>, vector<16xf32>, vector<16xf32>, vector<16xf32>, vector<16xf32>, vector<16xf32>
      }
      %scan3A_71 = arith.constant 256 : i32
      %mul3A_72 = arith.constant 2 : i32
      %mul3A_73 = arith.muli %scan3A_45, %mul3A_72 : i32
      %add3A_74 = arith.constant 0 : i32
      %add3A_75 = arith.addi %mul3A_73, %add3A_74 : i32
      %mul3A_76 = arith.constant 8 : i32
      %mul3A_77 = arith.muli %add3A_75, %mul3A_76 : i32
      %add3A_78 = arith.constant 0 : i32
      %add3A_79 = arith.addi %mul3A_77, %add3A_78 : i32
      %mul3A_80 = arith.constant 16 : i32
      %mul3A_81 = arith.muli %add3A_79, %mul3A_80 : i32
      %swap3A = arith.index_cast %mul3A_81 : i32 to index
      %swap3A_82 = tpu.vector_load %arg8[%swap3A] {strides = array<i32>} : memref<2064xf32, #tpu.memory_space<vmem>>, vector<16xf32>,
      %swap3A_83 = vector.shape_cast %swap3A_82 : vector<16xf32> to vector<16xf32>
      %swap3A_84 = vector.shape_cast %scan3A_70#0 : vector<16xf32> to vector<16xf32>
      tpu.vector_store %arg8[%swap3A], %swap3A_84 {strides = array<i32>} : memref<2064xf32, #tpu.memory_space<vmem>>, vector<16xf32>,
      %add3A_85 = arith.constant 1 : i32
      %add3A_86 = arith.addi %mul3A_77, %add3A_85 : i32
      %mul3A_87 = arith.constant 16 : i32
      %mul3A_88 = arith.muli %add3A_86, %mul3A_87 : i32
      %swap3A_89 = arith.index_cast %mul3A_88 : i32 to index
      %swap3A_90 = tpu.vector_load %arg8[%swap3A_89] {strides = array<i32>} : memref<2064xf32, #tpu.memory_space<vmem>>, vector<16xf32>,
      %swap3A_91 = vector.shape_cast %swap3A_90 : vector<16xf32> to vector<16xf32>
      %swap3A_92 = vector.shape_cast %scan3A_70#1 : vector<16xf32> to vector<16xf32>
      tpu.vector_store %arg8[%swap3A_89], %swap3A_92 {strides = array<i32>} : memref<2064xf32, #tpu.memory_space<vmem>>, vector<16xf32>,
      %add3A_93 = arith.constant 2 : i32
      %add3A_94 = arith.addi %mul3A_77, %add3A_93 : i32
      %mul3A_95 = arith.constant 16 : i32
      %mul3A_96 = arith.muli %add3A_94, %mul3A_95 : i32
      %swap3A_97 = arith.index_cast %mul3A_96 : i32 to index
      %swap3A_98 = tpu.vector_load %arg8[%swap3A_97] {strides = array<i32>} : memref<2064xf32, #tpu.memory_space<vmem>>, vector<16xf32>,
      %swap3A_99 = vector.shape_cast %swap3A_98 : vector<16xf32> to vector<16xf32>
      %swap3A_100 = vector.shape_cast %scan3A_70#2 : vector<16xf32> to vector<16xf32>
      tpu.vector_store %arg8[%swap3A_97], %swap3A_100 {strides = array<i32>} : memref<2064xf32, #tpu.memory_space<vmem>>, vector<16xf32>,
      %add3A_101 = arith.constant 3 : i32
      %add3A_102 = arith.addi %mul3A_77, %add3A_101 : i32
      %mul3A_103 = arith.constant 16 : i32
      %mul3A_104 = arith.muli %add3A_102, %mul3A_103 : i32
      %swap3A_105 = arith.index_cast %mul3A_104 : i32 to index
      %swap3A_106 = tpu.vector_load %arg8[%swap3A_105] {strides = array<i32>} : memref<2064xf32, #tpu.memory_space<vmem>>, vector<16xf32>,
      %swap3A_107 = vector.shape_cast %swap3A_106 : vector<16xf32> to vector<16xf32>
      %swap3A_108 = vector.shape_cast %scan3A_70#3 : vector<16xf32> to vector<16xf32>
      tpu.vector_store %arg8[%swap3A_105], %swap3A_108 {strides = array<i32>} : memref<2064xf32, #tpu.memory_space<vmem>>, vector<16xf32>,
      %add3A_109 = arith.constant 4 : i32
      %add3A_110 = arith.addi %mul3A_77, %add3A_109 : i32
      %mul3A_111 = arith.constant 16 : i32
      %mul3A_112 = arith.muli %add3A_110, %mul3A_111 : i32
      %swap3A_113 = arith.index_cast %mul3A_112 : i32 to index
      %swap3A_114 = tpu.vector_load %arg8[%swap3A_113] {strides = array<i32>} : memref<2064xf32, #tpu.memory_space<vmem>>, vector<16xf32>,
      %swap3A_115 = vector.shape_cast %swap3A_114 : vector<16xf32> to vector<16xf32>
      %swap3A_116 = vector.shape_cast %scan3A_70#4 : vector<16xf32> to vector<16xf32>
      tpu.vector_store %arg8[%swap3A_113], %swap3A_116 {strides = array<i32>} : memref<2064xf32, #tpu.memory_space<vmem>>, vector<16xf32>,
      %add3A_117 = arith.constant 5 : i32
      %add3A_118 = arith.addi %mul3A_77, %add3A_117 : i32
      %mul3A_119 = arith.constant 16 : i32
      %mul3A_120 = arith.muli %add3A_118, %mul3A_119 : i32
      %swap3A_121 = arith.index_cast %mul3A_120 : i32 to index
      %swap3A_122 = tpu.vector_load %arg8[%swap3A_121] {strides = array<i32>} : memref<2064xf32, #tpu.memory_space<vmem>>, vector<16xf32>,
      %swap3A_123 = vector.shape_cast %swap3A_122 : vector<16xf32> to vector<16xf32>
      %swap3A_124 = vector.shape_cast %scan3A_70#5 : vector<16xf32> to vector<16xf32>
      tpu.vector_store %arg8[%swap3A_121], %swap3A_124 {strides = array<i32>} : memref<2064xf32, #tpu.memory_space<vmem>>, vector<16xf32>,
      %add3A_125 = arith.constant 6 : i32
      %add3A_126 = arith.addi %mul3A_77, %add3A_125 : i32
      %mul3A_127 = arith.constant 16 : i32
      %mul3A_128 = arith.muli %add3A_126, %mul3A_127 : i32
      %swap3A_129 = arith.index_cast %mul3A_128 : i32 to index
      %swap3A_130 = tpu.vector_load %arg8[%swap3A_129] {strides = array<i32>} : memref<2064xf32, #tpu.memory_space<vmem>>, vector<16xf32>,
      %swap3A_131 = vector.shape_cast %swap3A_130 : vector<16xf32> to vector<16xf32>
      %swap3A_132 = vector.shape_cast %scan3A_70#6 : vector<16xf32> to vector<16xf32>
      tpu.vector_store %arg8[%swap3A_129], %swap3A_132 {strides = array<i32>} : memref<2064xf32, #tpu.memory_space<vmem>>, vector<16xf32>,
      %add3A_133 = arith.constant 7 : i32
      %add3A_134 = arith.addi %mul3A_77, %add3A_133 : i32
      %mul3A_135 = arith.constant 16 : i32
      %mul3A_136 = arith.muli %add3A_134, %mul3A_135 : i32
      %swap3A_137 = arith.index_cast %mul3A_136 : i32 to index
      %swap3A_138 = tpu.vector_load %arg8[%swap3A_137] {strides = array<i32>} : memref<2064xf32, #tpu.memory_space<vmem>>, vector<16xf32>,
      %swap3A_139 = vector.shape_cast %swap3A_138 : vector<16xf32> to vector<16xf32>
      %swap3A_140 = vector.shape_cast %scan3A_70#7 : vector<16xf32> to vector<16xf32>
      tpu.vector_store %arg8[%swap3A_137], %swap3A_140 {strides = array<i32>} : memref<2064xf32, #tpu.memory_space<vmem>>, vector<16xf32>,
      %add3A_141 = arith.constant 2 : i32
      %add3A_142 = arith.addi %mul3A_47, %add3A_141 : i32
      %lt3A = arith.constant 16 : i32
      %lt3A_143 = arith.cmpi slt, %add3A_142, %lt3A : i32
      %convert_element_type3A = arith.extui %lt3A_143 : i1 to i32
      %cond3A = arith.constant 0 : i32
      %cond3A_144 = arith.cmpi ne, %convert_element_type3A, %cond3A : i32
      scf.if %cond3A_144 {
        %add3A_248 = arith.constant 2 : i32
        %add3A_249 = arith.addi %mul3A_47, %add3A_248 : i32
        %mul3A_250 = arith.constant 8 : i32
        %mul3A_251 = arith.muli %add3A_249, %mul3A_250 : i32
        %add3A_252 = arith.addi %add3A_4, %mul3A_251 : i32
        %dma_start3A_253 = arith.constant 0 : i32
        %dma_start3A_254 = tpu.memref_slice %arg2[%add3A_252, %dma_start3A_253] : memref<16384x4096xf32, #tpu.memory_space<hbm>> -> memref<8x4096xf32, #tpu.memory_space<hbm>>
        %dma_start3A_255 = arith.constant 0 : i32
        %dma_start3A_256 = tpu.memref_slice %arg2[%add3A_252, %dma_start3A_255] : memref<16384x4096xf32, #tpu.memory_space<hbm>> -> memref<8x4096xf32, #tpu.memory_space<hbm>>
        tpu.enqueue_dma source(%dma_start3A_256 : memref<8x4096xf32, #tpu.memory_space<hbm>>) target(%arg6 : memref<8x4096xf32, #tpu.memory_space<vmem>>) target_semaphore(%arg11 : memref<!tpu.dma_semaphore, #tpu.memory_space<semaphore_mem>>)
      } else {
      }
      %dma_wait3A_145 = arith.constant 0 : i32
      %dma_wait3A_146 = tpu.memref_slice %arg2[%add3A_4, %dma_wait3A_145] : memref<16384x4096xf32, #tpu.memory_space<hbm>> -> memref<8x4096xf32, #tpu.memory_space<hbm>>
      %dma_wait3A_147 = arith.constant 0 : i32
      %dma_wait3A_148 = tpu.memref_slice %arg2[%add3A_4, %dma_wait3A_147] : memref<16384x4096xf32, #tpu.memory_space<hbm>> -> memref<8x4096xf32, #tpu.memory_space<hbm>>
      tpu.wait_dma2 semaphore(%arg12 : memref<!tpu.dma_semaphore, #tpu.memory_space<semaphore_mem>>) src(%dma_wait3A_148 : memref<8x4096xf32, #tpu.memory_space<hbm>>) dst(%arg7 : memref<8x4096xf32, #tpu.memory_space<vmem>>)
      %broadcast_in_dim3A_149 = arith.constant 0.000000e+00 : f32
      %broadcast_in_dim3A_150 = vector.broadcast %broadcast_in_dim3A_149 : f32 to vector<16xf32>
      %broadcast_in_dim3A_151 = arith.constant 0.000000e+00 : f32
      %broadcast_in_dim3A_152 = vector.broadcast %broadcast_in_dim3A_151 : f32 to vector<16xf32>
      %broadcast_in_dim3A_153 = arith.constant 0.000000e+00 : f32
      %broadcast_in_dim3A_154 = vector.broadcast %broadcast_in_dim3A_153 : f32 to vector<16xf32>
      %broadcast_in_dim3A_155 = arith.constant 0.000000e+00 : f32
      %broadcast_in_dim3A_156 = vector.broadcast %broadcast_in_dim3A_155 : f32 to vector<16xf32>
      %broadcast_in_dim3A_157 = arith.constant 0.000000e+00 : f32
      %broadcast_in_dim3A_158 = vector.broadcast %broadcast_in_dim3A_157 : f32 to vector<16xf32>
      %broadcast_in_dim3A_159 = arith.constant 0.000000e+00 : f32
      %broadcast_in_dim3A_160 = vector.broadcast %broadcast_in_dim3A_159 : f32 to vector<16xf32>
      %broadcast_in_dim3A_161 = arith.constant 0.000000e+00 : f32
      %broadcast_in_dim3A_162 = vector.broadcast %broadcast_in_dim3A_161 : f32 to vector<16xf32>
      %broadcast_in_dim3A_163 = arith.constant 0.000000e+00 : f32
      %broadcast_in_dim3A_164 = vector.broadcast %broadcast_in_dim3A_163 : f32 to vector<16xf32>
      %scan3A_165 = arith.constant 0 : i32
      %scan3A_166 = arith.constant 256 : i32
      %scan3A_167 = arith.addi %scan3A_165, %scan3A_166 : i32
      %scan3A_168 = arith.constant 8 : i32
      %scan3A_169:8 = scf.for %scan3A_248 = %scan3A_165 to %scan3A_167 step %scan3A_168 iter_args(%scan3A_249 = %broadcast_in_dim3A_150, %scan3A_250 = %broadcast_in_dim3A_152, %scan3A_251 = %broadcast_in_dim3A_154, %scan3A_252 = %broadcast_in_dim3A_156, %scan3A_253 = %broadcast_in_dim3A_158, %scan3A_254 = %broadcast_in_dim3A_160, %scan3A_255 = %broadcast_in_dim3A_162, %scan3A_256 = %broadcast_in_dim3A_164) -> (vector<16xf32>, vector<16xf32>, vector<16xf32>, vector<16xf32>, vector<16xf32>, vector<16xf32>, vector<16xf32>, vector<16xf32>)  : i32 {
        %mul3A_257 = arith.constant 16 : i32
        %mul3A_258 = arith.muli %scan3A_248, %mul3A_257 : i32
        %get3A = arith.index_cast %mul3A_258 : i32 to index
        %get3A_259 = tpu.vector_load %arg5[%get3A] {strides = array<i32>} : memref<4096xf32, #tpu.memory_space<vmem>>, vector<16xf32>,
        %get3A_260 = vector.shape_cast %get3A_259 : vector<16xf32> to vector<16xf32>
        %mul3A_261 = arith.constant 16 : i32
        %mul3A_262 = arith.muli %scan3A_248, %mul3A_261 : i32
        %get3A_263 = arith.constant 0 : i32
        %get3A_264 = arith.index_cast %get3A_263 : i32 to index
        %get3A_265 = arith.index_cast %mul3A_262 : i32 to index
        %get3A_266 = tpu.vector_load %arg7[%get3A_264, %get3A_265] {strides = array<i32>} : memref<8x4096xf32, #tpu.memory_space<vmem>>, vector<1x16xf32>,
        %get3A_267 = vector.shape_cast %get3A_266 : vector<1x16xf32> to vector<16xf32>
        %mul3A_268 = arith.mulf %get3A_267, %get3A_260 : vector<16xf32>
        %add3A_269 = arith.addf %scan3A_249, %mul3A_268 : vector<16xf32>
        %mul3A_270 = arith.constant 16 : i32
        %mul3A_271 = arith.muli %scan3A_248, %mul3A_270 : i32
        %get3A_272 = arith.constant 1 : i32
        %get3A_273 = arith.index_cast %get3A_272 : i32 to index
        %get3A_274 = arith.index_cast %mul3A_271 : i32 to index
        %get3A_275 = tpu.vector_load %arg7[%get3A_273, %get3A_274] {strides = array<i32>} : memref<8x4096xf32, #tpu.memory_space<vmem>>, vector<1x16xf32>,
        %get3A_276 = vector.shape_cast %get3A_275 : vector<1x16xf32> to vector<16xf32>
        %mul3A_277 = arith.mulf %get3A_276, %get3A_260 : vector<16xf32>
        %add3A_278 = arith.addf %scan3A_250, %mul3A_277 : vector<16xf32>
        %mul3A_279 = arith.constant 16 : i32
        %mul3A_280 = arith.muli %scan3A_248, %mul3A_279 : i32
        %get3A_281 = arith.constant 2 : i32
        %get3A_282 = arith.index_cast %get3A_281 : i32 to index
        %get3A_283 = arith.index_cast %mul3A_280 : i32 to index
        %get3A_284 = tpu.vector_load %arg7[%get3A_282, %get3A_283] {strides = array<i32>} : memref<8x4096xf32, #tpu.memory_space<vmem>>, vector<1x16xf32>,
        %get3A_285 = vector.shape_cast %get3A_284 : vector<1x16xf32> to vector<16xf32>
        %mul3A_286 = arith.mulf %get3A_285, %get3A_260 : vector<16xf32>
        %add3A_287 = arith.addf %scan3A_251, %mul3A_286 : vector<16xf32>
        %mul3A_288 = arith.constant 16 : i32
        %mul3A_289 = arith.muli %scan3A_248, %mul3A_288 : i32
        %get3A_290 = arith.constant 3 : i32
        %get3A_291 = arith.index_cast %get3A_290 : i32 to index
        %get3A_292 = arith.index_cast %mul3A_289 : i32 to index
        %get3A_293 = tpu.vector_load %arg7[%get3A_291, %get3A_292] {strides = array<i32>} : memref<8x4096xf32, #tpu.memory_space<vmem>>, vector<1x16xf32>,
        %get3A_294 = vector.shape_cast %get3A_293 : vector<1x16xf32> to vector<16xf32>
        %mul3A_295 = arith.mulf %get3A_294, %get3A_260 : vector<16xf32>
        %add3A_296 = arith.addf %scan3A_252, %mul3A_295 : vector<16xf32>
        %mul3A_297 = arith.constant 16 : i32
        %mul3A_298 = arith.muli %scan3A_248, %mul3A_297 : i32
        %get3A_299 = arith.constant 4 : i32
        %get3A_300 = arith.index_cast %get3A_299 : i32 to index
        %get3A_301 = arith.index_cast %mul3A_298 : i32 to index
        %get3A_302 = tpu.vector_load %arg7[%get3A_300, %get3A_301] {strides = array<i32>} : memref<8x4096xf32, #tpu.memory_space<vmem>>, vector<1x16xf32>,
        %get3A_303 = vector.shape_cast %get3A_302 : vector<1x16xf32> to vector<16xf32>
        %mul3A_304 = arith.mulf %get3A_303, %get3A_260 : vector<16xf32>
        %add3A_305 = arith.addf %scan3A_253, %mul3A_304 : vector<16xf32>
        %mul3A_306 = arith.constant 16 : i32
        %mul3A_307 = arith.muli %scan3A_248, %mul3A_306 : i32
        %get3A_308 = arith.constant 5 : i32
        %get3A_309 = arith.index_cast %get3A_308 : i32 to index
        %get3A_310 = arith.index_cast %mul3A_307 : i32 to index
        %get3A_311 = tpu.vector_load %arg7[%get3A_309, %get3A_310] {strides = array<i32>} : memref<8x4096xf32, #tpu.memory_space<vmem>>, vector<1x16xf32>,
        %get3A_312 = vector.shape_cast %get3A_311 : vector<1x16xf32> to vector<16xf32>
        %mul3A_313 = arith.mulf %get3A_312, %get3A_260 : vector<16xf32>
        %add3A_314 = arith.addf %scan3A_254, %mul3A_313 : vector<16xf32>
        %mul3A_315 = arith.constant 16 : i32
        %mul3A_316 = arith.muli %scan3A_248, %mul3A_315 : i32
        %get3A_317 = arith.constant 6 : i32
        %get3A_318 = arith.index_cast %get3A_317 : i32 to index
        %get3A_319 = arith.index_cast %mul3A_316 : i32 to index
        %get3A_320 = tpu.vector_load %arg7[%get3A_318, %get3A_319] {strides = array<i32>} : memref<8x4096xf32, #tpu.memory_space<vmem>>, vector<1x16xf32>,
        %get3A_321 = vector.shape_cast %get3A_320 : vector<1x16xf32> to vector<16xf32>
        %mul3A_322 = arith.mulf %get3A_321, %get3A_260 : vector<16xf32>
        %add3A_323 = arith.addf %scan3A_255, %mul3A_322 : vector<16xf32>
        %mul3A_324 = arith.constant 16 : i32
        %mul3A_325 = arith.muli %scan3A_248, %mul3A_324 : i32
        %get3A_326 = arith.constant 7 : i32
        %get3A_327 = arith.index_cast %get3A_326 : i32 to index
        %get3A_328 = arith.index_cast %mul3A_325 : i32 to index
        %get3A_329 = tpu.vector_load %arg7[%get3A_327, %get3A_328] {strides = array<i32>} : memref<8x4096xf32, #tpu.memory_space<vmem>>, vector<1x16xf32>,
        %get3A_330 = vector.shape_cast %get3A_329 : vector<1x16xf32> to vector<16xf32>
        %mul3A_331 = arith.mulf %get3A_330, %get3A_260 : vector<16xf32>
        %add3A_332 = arith.addf %scan3A_256, %mul3A_331 : vector<16xf32>
        %scan3A_333 = arith.constant 1 : i32
        %scan3A_334 = arith.addi %scan3A_248, %scan3A_333 : i32
        %mul3A_335 = arith.constant 16 : i32
        %mul3A_336 = arith.muli %scan3A_334, %mul3A_335 : i32
        %get3A_337 = arith.index_cast %mul3A_336 : i32 to index
        %get3A_338 = tpu.vector_load %arg5[%get3A_337] {strides = array<i32>} : memref<4096xf32, #tpu.memory_space<vmem>>, vector<16xf32>,
        %get3A_339 = vector.shape_cast %get3A_338 : vector<16xf32> to vector<16xf32>
        %mul3A_340 = arith.constant 16 : i32
        %mul3A_341 = arith.muli %scan3A_334, %mul3A_340 : i32
        %get3A_342 = arith.constant 0 : i32
        %get3A_343 = arith.index_cast %get3A_342 : i32 to index
        %get3A_344 = arith.index_cast %mul3A_341 : i32 to index
        %get3A_345 = tpu.vector_load %arg7[%get3A_343, %get3A_344] {strides = array<i32>} : memref<8x4096xf32, #tpu.memory_space<vmem>>, vector<1x16xf32>,
        %get3A_346 = vector.shape_cast %get3A_345 : vector<1x16xf32> to vector<16xf32>
        %mul3A_347 = arith.mulf %get3A_346, %get3A_339 : vector<16xf32>
        %add3A_348 = arith.addf %add3A_269, %mul3A_347 : vector<16xf32>
        %mul3A_349 = arith.constant 16 : i32
        %mul3A_350 = arith.muli %scan3A_334, %mul3A_349 : i32
        %get3A_351 = arith.constant 1 : i32
        %get3A_352 = arith.index_cast %get3A_351 : i32 to index
        %get3A_353 = arith.index_cast %mul3A_350 : i32 to index
        %get3A_354 = tpu.vector_load %arg7[%get3A_352, %get3A_353] {strides = array<i32>} : memref<8x4096xf32, #tpu.memory_space<vmem>>, vector<1x16xf32>,
        %get3A_355 = vector.shape_cast %get3A_354 : vector<1x16xf32> to vector<16xf32>
        %mul3A_356 = arith.mulf %get3A_355, %get3A_339 : vector<16xf32>
        %add3A_357 = arith.addf %add3A_278, %mul3A_356 : vector<16xf32>
        %mul3A_358 = arith.constant 16 : i32
        %mul3A_359 = arith.muli %scan3A_334, %mul3A_358 : i32
        %get3A_360 = arith.constant 2 : i32
        %get3A_361 = arith.index_cast %get3A_360 : i32 to index
        %get3A_362 = arith.index_cast %mul3A_359 : i32 to index
        %get3A_363 = tpu.vector_load %arg7[%get3A_361, %get3A_362] {strides = array<i32>} : memref<8x4096xf32, #tpu.memory_space<vmem>>, vector<1x16xf32>,
        %get3A_364 = vector.shape_cast %get3A_363 : vector<1x16xf32> to vector<16xf32>
        %mul3A_365 = arith.mulf %get3A_364, %get3A_339 : vector<16xf32>
        %add3A_366 = arith.addf %add3A_287, %mul3A_365 : vector<16xf32>
        %mul3A_367 = arith.constant 16 : i32
        %mul3A_368 = arith.muli %scan3A_334, %mul3A_367 : i32
        %get3A_369 = arith.constant 3 : i32
        %get3A_370 = arith.index_cast %get3A_369 : i32 to index
        %get3A_371 = arith.index_cast %mul3A_368 : i32 to index
        %get3A_372 = tpu.vector_load %arg7[%get3A_370, %get3A_371] {strides = array<i32>} : memref<8x4096xf32, #tpu.memory_space<vmem>>, vector<1x16xf32>,
        %get3A_373 = vector.shape_cast %get3A_372 : vector<1x16xf32> to vector<16xf32>
        %mul3A_374 = arith.mulf %get3A_373, %get3A_339 : vector<16xf32>
        %add3A_375 = arith.addf %add3A_296, %mul3A_374 : vector<16xf32>
        %mul3A_376 = arith.constant 16 : i32
        %mul3A_377 = arith.muli %scan3A_334, %mul3A_376 : i32
        %get3A_378 = arith.constant 4 : i32
        %get3A_379 = arith.index_cast %get3A_378 : i32 to index
        %get3A_380 = arith.index_cast %mul3A_377 : i32 to index
        %get3A_381 = tpu.vector_load %arg7[%get3A_379, %get3A_380] {strides = array<i32>} : memref<8x4096xf32, #tpu.memory_space<vmem>>, vector<1x16xf32>,
        %get3A_382 = vector.shape_cast %get3A_381 : vector<1x16xf32> to vector<16xf32>
        %mul3A_383 = arith.mulf %get3A_382, %get3A_339 : vector<16xf32>
        %add3A_384 = arith.addf %add3A_305, %mul3A_383 : vector<16xf32>
        %mul3A_385 = arith.constant 16 : i32
        %mul3A_386 = arith.muli %scan3A_334, %mul3A_385 : i32
        %get3A_387 = arith.constant 5 : i32
        %get3A_388 = arith.index_cast %get3A_387 : i32 to index
        %get3A_389 = arith.index_cast %mul3A_386 : i32 to index
        %get3A_390 = tpu.vector_load %arg7[%get3A_388, %get3A_389] {strides = array<i32>} : memref<8x4096xf32, #tpu.memory_space<vmem>>, vector<1x16xf32>,
        %get3A_391 = vector.shape_cast %get3A_390 : vector<1x16xf32> to vector<16xf32>
        %mul3A_392 = arith.mulf %get3A_391, %get3A_339 : vector<16xf32>
        %add3A_393 = arith.addf %add3A_314, %mul3A_392 : vector<16xf32>
        %mul3A_394 = arith.constant 16 : i32
        %mul3A_395 = arith.muli %scan3A_334, %mul3A_394 : i32
        %get3A_396 = arith.constant 6 : i32
        %get3A_397 = arith.index_cast %get3A_396 : i32 to index
        %get3A_398 = arith.index_cast %mul3A_395 : i32 to index
        %get3A_399 = tpu.vector_load %arg7[%get3A_397, %get3A_398] {strides = array<i32>} : memref<8x4096xf32, #tpu.memory_space<vmem>>, vector<1x16xf32>,
        %get3A_400 = vector.shape_cast %get3A_399 : vector<1x16xf32> to vector<16xf32>
        %mul3A_401 = arith.mulf %get3A_400, %get3A_339 : vector<16xf32>
        %add3A_402 = arith.addf %add3A_323, %mul3A_401 : vector<16xf32>
        %mul3A_403 = arith.constant 16 : i32
        %mul3A_404 = arith.muli %scan3A_334, %mul3A_403 : i32
        %get3A_405 = arith.constant 7 : i32
        %get3A_406 = arith.index_cast %get3A_405 : i32 to index
        %get3A_407 = arith.index_cast %mul3A_404 : i32 to index
        %get3A_408 = tpu.vector_load %arg7[%get3A_406, %get3A_407] {strides = array<i32>} : memref<8x4096xf32, #tpu.memory_space<vmem>>, vector<1x16xf32>,
        %get3A_409 = vector.shape_cast %get3A_408 : vector<1x16xf32> to vector<16xf32>
        %mul3A_410 = arith.mulf %get3A_409, %get3A_339 : vector<16xf32>
        %add3A_411 = arith.addf %add3A_332, %mul3A_410 : vector<16xf32>
        %scan3A_412 = arith.constant 2 : i32
        %scan3A_413 = arith.addi %scan3A_248, %scan3A_412 : i32
        %mul3A_414 = arith.constant 16 : i32
        %mul3A_415 = arith.muli %scan3A_413, %mul3A_414 : i32
        %get3A_416 = arith.index_cast %mul3A_415 : i32 to index
        %get3A_417 = tpu.vector_load %arg5[%get3A_416] {strides = array<i32>} : memref<4096xf32, #tpu.memory_space<vmem>>, vector<16xf32>,
        %get3A_418 = vector.shape_cast %get3A_417 : vector<16xf32> to vector<16xf32>
        %mul3A_419 = arith.constant 16 : i32
        %mul3A_420 = arith.muli %scan3A_413, %mul3A_419 : i32
        %get3A_421 = arith.constant 0 : i32
        %get3A_422 = arith.index_cast %get3A_421 : i32 to index
        %get3A_423 = arith.index_cast %mul3A_420 : i32 to index
        %get3A_424 = tpu.vector_load %arg7[%get3A_422, %get3A_423] {strides = array<i32>} : memref<8x4096xf32, #tpu.memory_space<vmem>>, vector<1x16xf32>,
        %get3A_425 = vector.shape_cast %get3A_424 : vector<1x16xf32> to vector<16xf32>
        %mul3A_426 = arith.mulf %get3A_425, %get3A_418 : vector<16xf32>
        %add3A_427 = arith.addf %add3A_348, %mul3A_426 : vector<16xf32>
        %mul3A_428 = arith.constant 16 : i32
        %mul3A_429 = arith.muli %scan3A_413, %mul3A_428 : i32
        %get3A_430 = arith.constant 1 : i32
        %get3A_431 = arith.index_cast %get3A_430 : i32 to index
        %get3A_432 = arith.index_cast %mul3A_429 : i32 to index
        %get3A_433 = tpu.vector_load %arg7[%get3A_431, %get3A_432] {strides = array<i32>} : memref<8x4096xf32, #tpu.memory_space<vmem>>, vector<1x16xf32>,
        %get3A_434 = vector.shape_cast %get3A_433 : vector<1x16xf32> to vector<16xf32>
        %mul3A_435 = arith.mulf %get3A_434, %get3A_418 : vector<16xf32>
        %add3A_436 = arith.addf %add3A_357, %mul3A_435 : vector<16xf32>
        %mul3A_437 = arith.constant 16 : i32
        %mul3A_438 = arith.muli %scan3A_413, %mul3A_437 : i32
        %get3A_439 = arith.constant 2 : i32
        %get3A_440 = arith.index_cast %get3A_439 : i32 to index
        %get3A_441 = arith.index_cast %mul3A_438 : i32 to index
        %get3A_442 = tpu.vector_load %arg7[%get3A_440, %get3A_441] {strides = array<i32>} : memref<8x4096xf32, #tpu.memory_space<vmem>>, vector<1x16xf32>,
        %get3A_443 = vector.shape_cast %get3A_442 : vector<1x16xf32> to vector<16xf32>
        %mul3A_444 = arith.mulf %get3A_443, %get3A_418 : vector<16xf32>
        %add3A_445 = arith.addf %add3A_366, %mul3A_444 : vector<16xf32>
        %mul3A_446 = arith.constant 16 : i32
        %mul3A_447 = arith.muli %scan3A_413, %mul3A_446 : i32
        %get3A_448 = arith.constant 3 : i32
        %get3A_449 = arith.index_cast %get3A_448 : i32 to index
        %get3A_450 = arith.index_cast %mul3A_447 : i32 to index
        %get3A_451 = tpu.vector_load %arg7[%get3A_449, %get3A_450] {strides = array<i32>} : memref<8x4096xf32, #tpu.memory_space<vmem>>, vector<1x16xf32>,
        %get3A_452 = vector.shape_cast %get3A_451 : vector<1x16xf32> to vector<16xf32>
        %mul3A_453 = arith.mulf %get3A_452, %get3A_418 : vector<16xf32>
        %add3A_454 = arith.addf %add3A_375, %mul3A_453 : vector<16xf32>
        %mul3A_455 = arith.constant 16 : i32
        %mul3A_456 = arith.muli %scan3A_413, %mul3A_455 : i32
        %get3A_457 = arith.constant 4 : i32
        %get3A_458 = arith.index_cast %get3A_457 : i32 to index
        %get3A_459 = arith.index_cast %mul3A_456 : i32 to index
        %get3A_460 = tpu.vector_load %arg7[%get3A_458, %get3A_459] {strides = array<i32>} : memref<8x4096xf32, #tpu.memory_space<vmem>>, vector<1x16xf32>,
        %get3A_461 = vector.shape_cast %get3A_460 : vector<1x16xf32> to vector<16xf32>
        %mul3A_462 = arith.mulf %get3A_461, %get3A_418 : vector<16xf32>
        %add3A_463 = arith.addf %add3A_384, %mul3A_462 : vector<16xf32>
        %mul3A_464 = arith.constant 16 : i32
        %mul3A_465 = arith.muli %scan3A_413, %mul3A_464 : i32
        %get3A_466 = arith.constant 5 : i32
        %get3A_467 = arith.index_cast %get3A_466 : i32 to index
        %get3A_468 = arith.index_cast %mul3A_465 : i32 to index
        %get3A_469 = tpu.vector_load %arg7[%get3A_467, %get3A_468] {strides = array<i32>} : memref<8x4096xf32, #tpu.memory_space<vmem>>, vector<1x16xf32>,
        %get3A_470 = vector.shape_cast %get3A_469 : vector<1x16xf32> to vector<16xf32>
        %mul3A_471 = arith.mulf %get3A_470, %get3A_418 : vector<16xf32>
        %add3A_472 = arith.addf %add3A_393, %mul3A_471 : vector<16xf32>
        %mul3A_473 = arith.constant 16 : i32
        %mul3A_474 = arith.muli %scan3A_413, %mul3A_473 : i32
        %get3A_475 = arith.constant 6 : i32
        %get3A_476 = arith.index_cast %get3A_475 : i32 to index
        %get3A_477 = arith.index_cast %mul3A_474 : i32 to index
        %get3A_478 = tpu.vector_load %arg7[%get3A_476, %get3A_477] {strides = array<i32>} : memref<8x4096xf32, #tpu.memory_space<vmem>>, vector<1x16xf32>,
        %get3A_479 = vector.shape_cast %get3A_478 : vector<1x16xf32> to vector<16xf32>
        %mul3A_480 = arith.mulf %get3A_479, %get3A_418 : vector<16xf32>
        %add3A_481 = arith.addf %add3A_402, %mul3A_480 : vector<16xf32>
        %mul3A_482 = arith.constant 16 : i32
        %mul3A_483 = arith.muli %scan3A_413, %mul3A_482 : i32
        %get3A_484 = arith.constant 7 : i32
        %get3A_485 = arith.index_cast %get3A_484 : i32 to index
        %get3A_486 = arith.index_cast %mul3A_483 : i32 to index
        %get3A_487 = tpu.vector_load %arg7[%get3A_485, %get3A_486] {strides = array<i32>} : memref<8x4096xf32, #tpu.memory_space<vmem>>, vector<1x16xf32>,
        %get3A_488 = vector.shape_cast %get3A_487 : vector<1x16xf32> to vector<16xf32>
        %mul3A_489 = arith.mulf %get3A_488, %get3A_418 : vector<16xf32>
        %add3A_490 = arith.addf %add3A_411, %mul3A_489 : vector<16xf32>
        %scan3A_491 = arith.constant 3 : i32
        %scan3A_492 = arith.addi %scan3A_248, %scan3A_491 : i32
        %mul3A_493 = arith.constant 16 : i32
        %mul3A_494 = arith.muli %scan3A_492, %mul3A_493 : i32
        %get3A_495 = arith.index_cast %mul3A_494 : i32 to index
        %get3A_496 = tpu.vector_load %arg5[%get3A_495] {strides = array<i32>} : memref<4096xf32, #tpu.memory_space<vmem>>, vector<16xf32>,
        %get3A_497 = vector.shape_cast %get3A_496 : vector<16xf32> to vector<16xf32>
        %mul3A_498 = arith.constant 16 : i32
        %mul3A_499 = arith.muli %scan3A_492, %mul3A_498 : i32
        %get3A_500 = arith.constant 0 : i32
        %get3A_501 = arith.index_cast %get3A_500 : i32 to index
        %get3A_502 = arith.index_cast %mul3A_499 : i32 to index
        %get3A_503 = tpu.vector_load %arg7[%get3A_501, %get3A_502] {strides = array<i32>} : memref<8x4096xf32, #tpu.memory_space<vmem>>, vector<1x16xf32>,
        %get3A_504 = vector.shape_cast %get3A_503 : vector<1x16xf32> to vector<16xf32>
        %mul3A_505 = arith.mulf %get3A_504, %get3A_497 : vector<16xf32>
        %add3A_506 = arith.addf %add3A_427, %mul3A_505 : vector<16xf32>
        %mul3A_507 = arith.constant 16 : i32
        %mul3A_508 = arith.muli %scan3A_492, %mul3A_507 : i32
        %get3A_509 = arith.constant 1 : i32
        %get3A_510 = arith.index_cast %get3A_509 : i32 to index
        %get3A_511 = arith.index_cast %mul3A_508 : i32 to index
        %get3A_512 = tpu.vector_load %arg7[%get3A_510, %get3A_511] {strides = array<i32>} : memref<8x4096xf32, #tpu.memory_space<vmem>>, vector<1x16xf32>,
        %get3A_513 = vector.shape_cast %get3A_512 : vector<1x16xf32> to vector<16xf32>
        %mul3A_514 = arith.mulf %get3A_513, %get3A_497 : vector<16xf32>
        %add3A_515 = arith.addf %add3A_436, %mul3A_514 : vector<16xf32>
        %mul3A_516 = arith.constant 16 : i32
        %mul3A_517 = arith.muli %scan3A_492, %mul3A_516 : i32
        %get3A_518 = arith.constant 2 : i32
        %get3A_519 = arith.index_cast %get3A_518 : i32 to index
        %get3A_520 = arith.index_cast %mul3A_517 : i32 to index
        %get3A_521 = tpu.vector_load %arg7[%get3A_519, %get3A_520] {strides = array<i32>} : memref<8x4096xf32, #tpu.memory_space<vmem>>, vector<1x16xf32>,
        %get3A_522 = vector.shape_cast %get3A_521 : vector<1x16xf32> to vector<16xf32>
        %mul3A_523 = arith.mulf %get3A_522, %get3A_497 : vector<16xf32>
        %add3A_524 = arith.addf %add3A_445, %mul3A_523 : vector<16xf32>
        %mul3A_525 = arith.constant 16 : i32
        %mul3A_526 = arith.muli %scan3A_492, %mul3A_525 : i32
        %get3A_527 = arith.constant 3 : i32
        %get3A_528 = arith.index_cast %get3A_527 : i32 to index
        %get3A_529 = arith.index_cast %mul3A_526 : i32 to index
        %get3A_530 = tpu.vector_load %arg7[%get3A_528, %get3A_529] {strides = array<i32>} : memref<8x4096xf32, #tpu.memory_space<vmem>>, vector<1x16xf32>,
        %get3A_531 = vector.shape_cast %get3A_530 : vector<1x16xf32> to vector<16xf32>
        %mul3A_532 = arith.mulf %get3A_531, %get3A_497 : vector<16xf32>
        %add3A_533 = arith.addf %add3A_454, %mul3A_532 : vector<16xf32>
        %mul3A_534 = arith.constant 16 : i32
        %mul3A_535 = arith.muli %scan3A_492, %mul3A_534 : i32
        %get3A_536 = arith.constant 4 : i32
        %get3A_537 = arith.index_cast %get3A_536 : i32 to index
        %get3A_538 = arith.index_cast %mul3A_535 : i32 to index
        %get3A_539 = tpu.vector_load %arg7[%get3A_537, %get3A_538] {strides = array<i32>} : memref<8x4096xf32, #tpu.memory_space<vmem>>, vector<1x16xf32>,
        %get3A_540 = vector.shape_cast %get3A_539 : vector<1x16xf32> to vector<16xf32>
        %mul3A_541 = arith.mulf %get3A_540, %get3A_497 : vector<16xf32>
        %add3A_542 = arith.addf %add3A_463, %mul3A_541 : vector<16xf32>
        %mul3A_543 = arith.constant 16 : i32
        %mul3A_544 = arith.muli %scan3A_492, %mul3A_543 : i32
        %get3A_545 = arith.constant 5 : i32
        %get3A_546 = arith.index_cast %get3A_545 : i32 to index
        %get3A_547 = arith.index_cast %mul3A_544 : i32 to index
        %get3A_548 = tpu.vector_load %arg7[%get3A_546, %get3A_547] {strides = array<i32>} : memref<8x4096xf32, #tpu.memory_space<vmem>>, vector<1x16xf32>,
        %get3A_549 = vector.shape_cast %get3A_548 : vector<1x16xf32> to vector<16xf32>
        %mul3A_550 = arith.mulf %get3A_549, %get3A_497 : vector<16xf32>
        %add3A_551 = arith.addf %add3A_472, %mul3A_550 : vector<16xf32>
        %mul3A_552 = arith.constant 16 : i32
        %mul3A_553 = arith.muli %scan3A_492, %mul3A_552 : i32
        %get3A_554 = arith.constant 6 : i32
        %get3A_555 = arith.index_cast %get3A_554 : i32 to index
        %get3A_556 = arith.index_cast %mul3A_553 : i32 to index
        %get3A_557 = tpu.vector_load %arg7[%get3A_555, %get3A_556] {strides = array<i32>} : memref<8x4096xf32, #tpu.memory_space<vmem>>, vector<1x16xf32>,
        %get3A_558 = vector.shape_cast %get3A_557 : vector<1x16xf32> to vector<16xf32>
        %mul3A_559 = arith.mulf %get3A_558, %get3A_497 : vector<16xf32>
        %add3A_560 = arith.addf %add3A_481, %mul3A_559 : vector<16xf32>
        %mul3A_561 = arith.constant 16 : i32
        %mul3A_562 = arith.muli %scan3A_492, %mul3A_561 : i32
        %get3A_563 = arith.constant 7 : i32
        %get3A_564 = arith.index_cast %get3A_563 : i32 to index
        %get3A_565 = arith.index_cast %mul3A_562 : i32 to index
        %get3A_566 = tpu.vector_load %arg7[%get3A_564, %get3A_565] {strides = array<i32>} : memref<8x4096xf32, #tpu.memory_space<vmem>>, vector<1x16xf32>,
        %get3A_567 = vector.shape_cast %get3A_566 : vector<1x16xf32> to vector<16xf32>
        %mul3A_568 = arith.mulf %get3A_567, %get3A_497 : vector<16xf32>
        %add3A_569 = arith.addf %add3A_490, %mul3A_568 : vector<16xf32>
        %scan3A_570 = arith.constant 4 : i32
        %scan3A_571 = arith.addi %scan3A_248, %scan3A_570 : i32
        %mul3A_572 = arith.constant 16 : i32
        %mul3A_573 = arith.muli %scan3A_571, %mul3A_572 : i32
        %get3A_574 = arith.index_cast %mul3A_573 : i32 to index
        %get3A_575 = tpu.vector_load %arg5[%get3A_574] {strides = array<i32>} : memref<4096xf32, #tpu.memory_space<vmem>>, vector<16xf32>,
        %get3A_576 = vector.shape_cast %get3A_575 : vector<16xf32> to vector<16xf32>
        %mul3A_577 = arith.constant 16 : i32
        %mul3A_578 = arith.muli %scan3A_571, %mul3A_577 : i32
        %get3A_579 = arith.constant 0 : i32
        %get3A_580 = arith.index_cast %get3A_579 : i32 to index
        %get3A_581 = arith.index_cast %mul3A_578 : i32 to index
        %get3A_582 = tpu.vector_load %arg7[%get3A_580, %get3A_581] {strides = array<i32>} : memref<8x4096xf32, #tpu.memory_space<vmem>>, vector<1x16xf32>,
        %get3A_583 = vector.shape_cast %get3A_582 : vector<1x16xf32> to vector<16xf32>
        %mul3A_584 = arith.mulf %get3A_583, %get3A_576 : vector<16xf32>
        %add3A_585 = arith.addf %add3A_506, %mul3A_584 : vector<16xf32>
        %mul3A_586 = arith.constant 16 : i32
        %mul3A_587 = arith.muli %scan3A_571, %mul3A_586 : i32
        %get3A_588 = arith.constant 1 : i32
        %get3A_589 = arith.index_cast %get3A_588 : i32 to index
        %get3A_590 = arith.index_cast %mul3A_587 : i32 to index
        %get3A_591 = tpu.vector_load %arg7[%get3A_589, %get3A_590] {strides = array<i32>} : memref<8x4096xf32, #tpu.memory_space<vmem>>, vector<1x16xf32>,
        %get3A_592 = vector.shape_cast %get3A_591 : vector<1x16xf32> to vector<16xf32>
        %mul3A_593 = arith.mulf %get3A_592, %get3A_576 : vector<16xf32>
        %add3A_594 = arith.addf %add3A_515, %mul3A_593 : vector<16xf32>
        %mul3A_595 = arith.constant 16 : i32
        %mul3A_596 = arith.muli %scan3A_571, %mul3A_595 : i32
        %get3A_597 = arith.constant 2 : i32
        %get3A_598 = arith.index_cast %get3A_597 : i32 to index
        %get3A_599 = arith.index_cast %mul3A_596 : i32 to index
        %get3A_600 = tpu.vector_load %arg7[%get3A_598, %get3A_599] {strides = array<i32>} : memref<8x4096xf32, #tpu.memory_space<vmem>>, vector<1x16xf32>,
        %get3A_601 = vector.shape_cast %get3A_600 : vector<1x16xf32> to vector<16xf32>
        %mul3A_602 = arith.mulf %get3A_601, %get3A_576 : vector<16xf32>
        %add3A_603 = arith.addf %add3A_524, %mul3A_602 : vector<16xf32>
        %mul3A_604 = arith.constant 16 : i32
        %mul3A_605 = arith.muli %scan3A_571, %mul3A_604 : i32
        %get3A_606 = arith.constant 3 : i32
        %get3A_607 = arith.index_cast %get3A_606 : i32 to index
        %get3A_608 = arith.index_cast %mul3A_605 : i32 to index
        %get3A_609 = tpu.vector_load %arg7[%get3A_607, %get3A_608] {strides = array<i32>} : memref<8x4096xf32, #tpu.memory_space<vmem>>, vector<1x16xf32>,
        %get3A_610 = vector.shape_cast %get3A_609 : vector<1x16xf32> to vector<16xf32>
        %mul3A_611 = arith.mulf %get3A_610, %get3A_576 : vector<16xf32>
        %add3A_612 = arith.addf %add3A_533, %mul3A_611 : vector<16xf32>
        %mul3A_613 = arith.constant 16 : i32
        %mul3A_614 = arith.muli %scan3A_571, %mul3A_613 : i32
        %get3A_615 = arith.constant 4 : i32
        %get3A_616 = arith.index_cast %get3A_615 : i32 to index
        %get3A_617 = arith.index_cast %mul3A_614 : i32 to index
        %get3A_618 = tpu.vector_load %arg7[%get3A_616, %get3A_617] {strides = array<i32>} : memref<8x4096xf32, #tpu.memory_space<vmem>>, vector<1x16xf32>,
        %get3A_619 = vector.shape_cast %get3A_618 : vector<1x16xf32> to vector<16xf32>
        %mul3A_620 = arith.mulf %get3A_619, %get3A_576 : vector<16xf32>
        %add3A_621 = arith.addf %add3A_542, %mul3A_620 : vector<16xf32>
        %mul3A_622 = arith.constant 16 : i32
        %mul3A_623 = arith.muli %scan3A_571, %mul3A_622 : i32
        %get3A_624 = arith.constant 5 : i32
        %get3A_625 = arith.index_cast %get3A_624 : i32 to index
        %get3A_626 = arith.index_cast %mul3A_623 : i32 to index
        %get3A_627 = tpu.vector_load %arg7[%get3A_625, %get3A_626] {strides = array<i32>} : memref<8x4096xf32, #tpu.memory_space<vmem>>, vector<1x16xf32>,
        %get3A_628 = vector.shape_cast %get3A_627 : vector<1x16xf32> to vector<16xf32>
        %mul3A_629 = arith.mulf %get3A_628, %get3A_576 : vector<16xf32>
        %add3A_630 = arith.addf %add3A_551, %mul3A_629 : vector<16xf32>
        %mul3A_631 = arith.constant 16 : i32
        %mul3A_632 = arith.muli %scan3A_571, %mul3A_631 : i32
        %get3A_633 = arith.constant 6 : i32
        %get3A_634 = arith.index_cast %get3A_633 : i32 to index
        %get3A_635 = arith.index_cast %mul3A_632 : i32 to index
        %get3A_636 = tpu.vector_load %arg7[%get3A_634, %get3A_635] {strides = array<i32>} : memref<8x4096xf32, #tpu.memory_space<vmem>>, vector<1x16xf32>,
        %get3A_637 = vector.shape_cast %get3A_636 : vector<1x16xf32> to vector<16xf32>
        %mul3A_638 = arith.mulf %get3A_637, %get3A_576 : vector<16xf32>
        %add3A_639 = arith.addf %add3A_560, %mul3A_638 : vector<16xf32>
        %mul3A_640 = arith.constant 16 : i32
        %mul3A_641 = arith.muli %scan3A_571, %mul3A_640 : i32
        %get3A_642 = arith.constant 7 : i32
        %get3A_643 = arith.index_cast %get3A_642 : i32 to index
        %get3A_644 = arith.index_cast %mul3A_641 : i32 to index
        %get3A_645 = tpu.vector_load %arg7[%get3A_643, %get3A_644] {strides = array<i32>} : memref<8x4096xf32, #tpu.memory_space<vmem>>, vector<1x16xf32>,
        %get3A_646 = vector.shape_cast %get3A_645 : vector<1x16xf32> to vector<16xf32>
        %mul3A_647 = arith.mulf %get3A_646, %get3A_576 : vector<16xf32>
        %add3A_648 = arith.addf %add3A_569, %mul3A_647 : vector<16xf32>
        %scan3A_649 = arith.constant 5 : i32
        %scan3A_650 = arith.addi %scan3A_248, %scan3A_649 : i32
        %mul3A_651 = arith.constant 16 : i32
        %mul3A_652 = arith.muli %scan3A_650, %mul3A_651 : i32
        %get3A_653 = arith.index_cast %mul3A_652 : i32 to index
        %get3A_654 = tpu.vector_load %arg5[%get3A_653] {strides = array<i32>} : memref<4096xf32, #tpu.memory_space<vmem>>, vector<16xf32>,
        %get3A_655 = vector.shape_cast %get3A_654 : vector<16xf32> to vector<16xf32>
        %mul3A_656 = arith.constant 16 : i32
        %mul3A_657 = arith.muli %scan3A_650, %mul3A_656 : i32
        %get3A_658 = arith.constant 0 : i32
        %get3A_659 = arith.index_cast %get3A_658 : i32 to index
        %get3A_660 = arith.index_cast %mul3A_657 : i32 to index
        %get3A_661 = tpu.vector_load %arg7[%get3A_659, %get3A_660] {strides = array<i32>} : memref<8x4096xf32, #tpu.memory_space<vmem>>, vector<1x16xf32>,
        %get3A_662 = vector.shape_cast %get3A_661 : vector<1x16xf32> to vector<16xf32>
        %mul3A_663 = arith.mulf %get3A_662, %get3A_655 : vector<16xf32>
        %add3A_664 = arith.addf %add3A_585, %mul3A_663 : vector<16xf32>
        %mul3A_665 = arith.constant 16 : i32
        %mul3A_666 = arith.muli %scan3A_650, %mul3A_665 : i32
        %get3A_667 = arith.constant 1 : i32
        %get3A_668 = arith.index_cast %get3A_667 : i32 to index
        %get3A_669 = arith.index_cast %mul3A_666 : i32 to index
        %get3A_670 = tpu.vector_load %arg7[%get3A_668, %get3A_669] {strides = array<i32>} : memref<8x4096xf32, #tpu.memory_space<vmem>>, vector<1x16xf32>,
        %get3A_671 = vector.shape_cast %get3A_670 : vector<1x16xf32> to vector<16xf32>
        %mul3A_672 = arith.mulf %get3A_671, %get3A_655 : vector<16xf32>
        %add3A_673 = arith.addf %add3A_594, %mul3A_672 : vector<16xf32>
        %mul3A_674 = arith.constant 16 : i32
        %mul3A_675 = arith.muli %scan3A_650, %mul3A_674 : i32
        %get3A_676 = arith.constant 2 : i32
        %get3A_677 = arith.index_cast %get3A_676 : i32 to index
        %get3A_678 = arith.index_cast %mul3A_675 : i32 to index
        %get3A_679 = tpu.vector_load %arg7[%get3A_677, %get3A_678] {strides = array<i32>} : memref<8x4096xf32, #tpu.memory_space<vmem>>, vector<1x16xf32>,
        %get3A_680 = vector.shape_cast %get3A_679 : vector<1x16xf32> to vector<16xf32>
        %mul3A_681 = arith.mulf %get3A_680, %get3A_655 : vector<16xf32>
        %add3A_682 = arith.addf %add3A_603, %mul3A_681 : vector<16xf32>
        %mul3A_683 = arith.constant 16 : i32
        %mul3A_684 = arith.muli %scan3A_650, %mul3A_683 : i32
        %get3A_685 = arith.constant 3 : i32
        %get3A_686 = arith.index_cast %get3A_685 : i32 to index
        %get3A_687 = arith.index_cast %mul3A_684 : i32 to index
        %get3A_688 = tpu.vector_load %arg7[%get3A_686, %get3A_687] {strides = array<i32>} : memref<8x4096xf32, #tpu.memory_space<vmem>>, vector<1x16xf32>,
        %get3A_689 = vector.shape_cast %get3A_688 : vector<1x16xf32> to vector<16xf32>
        %mul3A_690 = arith.mulf %get3A_689, %get3A_655 : vector<16xf32>
        %add3A_691 = arith.addf %add3A_612, %mul3A_690 : vector<16xf32>
        %mul3A_692 = arith.constant 16 : i32
        %mul3A_693 = arith.muli %scan3A_650, %mul3A_692 : i32
        %get3A_694 = arith.constant 4 : i32
        %get3A_695 = arith.index_cast %get3A_694 : i32 to index
        %get3A_696 = arith.index_cast %mul3A_693 : i32 to index
        %get3A_697 = tpu.vector_load %arg7[%get3A_695, %get3A_696] {strides = array<i32>} : memref<8x4096xf32, #tpu.memory_space<vmem>>, vector<1x16xf32>,
        %get3A_698 = vector.shape_cast %get3A_697 : vector<1x16xf32> to vector<16xf32>
        %mul3A_699 = arith.mulf %get3A_698, %get3A_655 : vector<16xf32>
        %add3A_700 = arith.addf %add3A_621, %mul3A_699 : vector<16xf32>
        %mul3A_701 = arith.constant 16 : i32
        %mul3A_702 = arith.muli %scan3A_650, %mul3A_701 : i32
        %get3A_703 = arith.constant 5 : i32
        %get3A_704 = arith.index_cast %get3A_703 : i32 to index
        %get3A_705 = arith.index_cast %mul3A_702 : i32 to index
        %get3A_706 = tpu.vector_load %arg7[%get3A_704, %get3A_705] {strides = array<i32>} : memref<8x4096xf32, #tpu.memory_space<vmem>>, vector<1x16xf32>,
        %get3A_707 = vector.shape_cast %get3A_706 : vector<1x16xf32> to vector<16xf32>
        %mul3A_708 = arith.mulf %get3A_707, %get3A_655 : vector<16xf32>
        %add3A_709 = arith.addf %add3A_630, %mul3A_708 : vector<16xf32>
        %mul3A_710 = arith.constant 16 : i32
        %mul3A_711 = arith.muli %scan3A_650, %mul3A_710 : i32
        %get3A_712 = arith.constant 6 : i32
        %get3A_713 = arith.index_cast %get3A_712 : i32 to index
        %get3A_714 = arith.index_cast %mul3A_711 : i32 to index
        %get3A_715 = tpu.vector_load %arg7[%get3A_713, %get3A_714] {strides = array<i32>} : memref<8x4096xf32, #tpu.memory_space<vmem>>, vector<1x16xf32>,
        %get3A_716 = vector.shape_cast %get3A_715 : vector<1x16xf32> to vector<16xf32>
        %mul3A_717 = arith.mulf %get3A_716, %get3A_655 : vector<16xf32>
        %add3A_718 = arith.addf %add3A_639, %mul3A_717 : vector<16xf32>
        %mul3A_719 = arith.constant 16 : i32
        %mul3A_720 = arith.muli %scan3A_650, %mul3A_719 : i32
        %get3A_721 = arith.constant 7 : i32
        %get3A_722 = arith.index_cast %get3A_721 : i32 to index
        %get3A_723 = arith.index_cast %mul3A_720 : i32 to index
        %get3A_724 = tpu.vector_load %arg7[%get3A_722, %get3A_723] {strides = array<i32>} : memref<8x4096xf32, #tpu.memory_space<vmem>>, vector<1x16xf32>,
        %get3A_725 = vector.shape_cast %get3A_724 : vector<1x16xf32> to vector<16xf32>
        %mul3A_726 = arith.mulf %get3A_725, %get3A_655 : vector<16xf32>
        %add3A_727 = arith.addf %add3A_648, %mul3A_726 : vector<16xf32>
        %scan3A_728 = arith.constant 6 : i32
        %scan3A_729 = arith.addi %scan3A_248, %scan3A_728 : i32
        %mul3A_730 = arith.constant 16 : i32
        %mul3A_731 = arith.muli %scan3A_729, %mul3A_730 : i32
        %get3A_732 = arith.index_cast %mul3A_731 : i32 to index
        %get3A_733 = tpu.vector_load %arg5[%get3A_732] {strides = array<i32>} : memref<4096xf32, #tpu.memory_space<vmem>>, vector<16xf32>,
        %get3A_734 = vector.shape_cast %get3A_733 : vector<16xf32> to vector<16xf32>
        %mul3A_735 = arith.constant 16 : i32
        %mul3A_736 = arith.muli %scan3A_729, %mul3A_735 : i32
        %get3A_737 = arith.constant 0 : i32
        %get3A_738 = arith.index_cast %get3A_737 : i32 to index
        %get3A_739 = arith.index_cast %mul3A_736 : i32 to index
        %get3A_740 = tpu.vector_load %arg7[%get3A_738, %get3A_739] {strides = array<i32>} : memref<8x4096xf32, #tpu.memory_space<vmem>>, vector<1x16xf32>,
        %get3A_741 = vector.shape_cast %get3A_740 : vector<1x16xf32> to vector<16xf32>
        %mul3A_742 = arith.mulf %get3A_741, %get3A_734 : vector<16xf32>
        %add3A_743 = arith.addf %add3A_664, %mul3A_742 : vector<16xf32>
        %mul3A_744 = arith.constant 16 : i32
        %mul3A_745 = arith.muli %scan3A_729, %mul3A_744 : i32
        %get3A_746 = arith.constant 1 : i32
        %get3A_747 = arith.index_cast %get3A_746 : i32 to index
        %get3A_748 = arith.index_cast %mul3A_745 : i32 to index
        %get3A_749 = tpu.vector_load %arg7[%get3A_747, %get3A_748] {strides = array<i32>} : memref<8x4096xf32, #tpu.memory_space<vmem>>, vector<1x16xf32>,
        %get3A_750 = vector.shape_cast %get3A_749 : vector<1x16xf32> to vector<16xf32>
        %mul3A_751 = arith.mulf %get3A_750, %get3A_734 : vector<16xf32>
        %add3A_752 = arith.addf %add3A_673, %mul3A_751 : vector<16xf32>
        %mul3A_753 = arith.constant 16 : i32
        %mul3A_754 = arith.muli %scan3A_729, %mul3A_753 : i32
        %get3A_755 = arith.constant 2 : i32
        %get3A_756 = arith.index_cast %get3A_755 : i32 to index
        %get3A_757 = arith.index_cast %mul3A_754 : i32 to index
        %get3A_758 = tpu.vector_load %arg7[%get3A_756, %get3A_757] {strides = array<i32>} : memref<8x4096xf32, #tpu.memory_space<vmem>>, vector<1x16xf32>,
        %get3A_759 = vector.shape_cast %get3A_758 : vector<1x16xf32> to vector<16xf32>
        %mul3A_760 = arith.mulf %get3A_759, %get3A_734 : vector<16xf32>
        %add3A_761 = arith.addf %add3A_682, %mul3A_760 : vector<16xf32>
        %mul3A_762 = arith.constant 16 : i32
        %mul3A_763 = arith.muli %scan3A_729, %mul3A_762 : i32
        %get3A_764 = arith.constant 3 : i32
        %get3A_765 = arith.index_cast %get3A_764 : i32 to index
        %get3A_766 = arith.index_cast %mul3A_763 : i32 to index
        %get3A_767 = tpu.vector_load %arg7[%get3A_765, %get3A_766] {strides = array<i32>} : memref<8x4096xf32, #tpu.memory_space<vmem>>, vector<1x16xf32>,
        %get3A_768 = vector.shape_cast %get3A_767 : vector<1x16xf32> to vector<16xf32>
        %mul3A_769 = arith.mulf %get3A_768, %get3A_734 : vector<16xf32>
        %add3A_770 = arith.addf %add3A_691, %mul3A_769 : vector<16xf32>
        %mul3A_771 = arith.constant 16 : i32
        %mul3A_772 = arith.muli %scan3A_729, %mul3A_771 : i32
        %get3A_773 = arith.constant 4 : i32
        %get3A_774 = arith.index_cast %get3A_773 : i32 to index
        %get3A_775 = arith.index_cast %mul3A_772 : i32 to index
        %get3A_776 = tpu.vector_load %arg7[%get3A_774, %get3A_775] {strides = array<i32>} : memref<8x4096xf32, #tpu.memory_space<vmem>>, vector<1x16xf32>,
        %get3A_777 = vector.shape_cast %get3A_776 : vector<1x16xf32> to vector<16xf32>
        %mul3A_778 = arith.mulf %get3A_777, %get3A_734 : vector<16xf32>
        %add3A_779 = arith.addf %add3A_700, %mul3A_778 : vector<16xf32>
        %mul3A_780 = arith.constant 16 : i32
        %mul3A_781 = arith.muli %scan3A_729, %mul3A_780 : i32
        %get3A_782 = arith.constant 5 : i32
        %get3A_783 = arith.index_cast %get3A_782 : i32 to index
        %get3A_784 = arith.index_cast %mul3A_781 : i32 to index
        %get3A_785 = tpu.vector_load %arg7[%get3A_783, %get3A_784] {strides = array<i32>} : memref<8x4096xf32, #tpu.memory_space<vmem>>, vector<1x16xf32>,
        %get3A_786 = vector.shape_cast %get3A_785 : vector<1x16xf32> to vector<16xf32>
        %mul3A_787 = arith.mulf %get3A_786, %get3A_734 : vector<16xf32>
        %add3A_788 = arith.addf %add3A_709, %mul3A_787 : vector<16xf32>
        %mul3A_789 = arith.constant 16 : i32
        %mul3A_790 = arith.muli %scan3A_729, %mul3A_789 : i32
        %get3A_791 = arith.constant 6 : i32
        %get3A_792 = arith.index_cast %get3A_791 : i32 to index
        %get3A_793 = arith.index_cast %mul3A_790 : i32 to index
        %get3A_794 = tpu.vector_load %arg7[%get3A_792, %get3A_793] {strides = array<i32>} : memref<8x4096xf32, #tpu.memory_space<vmem>>, vector<1x16xf32>,
        %get3A_795 = vector.shape_cast %get3A_794 : vector<1x16xf32> to vector<16xf32>
        %mul3A_796 = arith.mulf %get3A_795, %get3A_734 : vector<16xf32>
        %add3A_797 = arith.addf %add3A_718, %mul3A_796 : vector<16xf32>
        %mul3A_798 = arith.constant 16 : i32
        %mul3A_799 = arith.muli %scan3A_729, %mul3A_798 : i32
        %get3A_800 = arith.constant 7 : i32
        %get3A_801 = arith.index_cast %get3A_800 : i32 to index
        %get3A_802 = arith.index_cast %mul3A_799 : i32 to index
        %get3A_803 = tpu.vector_load %arg7[%get3A_801, %get3A_802] {strides = array<i32>} : memref<8x4096xf32, #tpu.memory_space<vmem>>, vector<1x16xf32>,
        %get3A_804 = vector.shape_cast %get3A_803 : vector<1x16xf32> to vector<16xf32>
        %mul3A_805 = arith.mulf %get3A_804, %get3A_734 : vector<16xf32>
        %add3A_806 = arith.addf %add3A_727, %mul3A_805 : vector<16xf32>
        %scan3A_807 = arith.constant 7 : i32
        %scan3A_808 = arith.addi %scan3A_248, %scan3A_807 : i32
        %mul3A_809 = arith.constant 16 : i32
        %mul3A_810 = arith.muli %scan3A_808, %mul3A_809 : i32
        %get3A_811 = arith.index_cast %mul3A_810 : i32 to index
        %get3A_812 = tpu.vector_load %arg5[%get3A_811] {strides = array<i32>} : memref<4096xf32, #tpu.memory_space<vmem>>, vector<16xf32>,
        %get3A_813 = vector.shape_cast %get3A_812 : vector<16xf32> to vector<16xf32>
        %mul3A_814 = arith.constant 16 : i32
        %mul3A_815 = arith.muli %scan3A_808, %mul3A_814 : i32
        %get3A_816 = arith.constant 0 : i32
        %get3A_817 = arith.index_cast %get3A_816 : i32 to index
        %get3A_818 = arith.index_cast %mul3A_815 : i32 to index
        %get3A_819 = tpu.vector_load %arg7[%get3A_817, %get3A_818] {strides = array<i32>} : memref<8x4096xf32, #tpu.memory_space<vmem>>, vector<1x16xf32>,
        %get3A_820 = vector.shape_cast %get3A_819 : vector<1x16xf32> to vector<16xf32>
        %mul3A_821 = arith.mulf %get3A_820, %get3A_813 : vector<16xf32>
        %add3A_822 = arith.addf %add3A_743, %mul3A_821 : vector<16xf32>
        %mul3A_823 = arith.constant 16 : i32
        %mul3A_824 = arith.muli %scan3A_808, %mul3A_823 : i32
        %get3A_825 = arith.constant 1 : i32
        %get3A_826 = arith.index_cast %get3A_825 : i32 to index
        %get3A_827 = arith.index_cast %mul3A_824 : i32 to index
        %get3A_828 = tpu.vector_load %arg7[%get3A_826, %get3A_827] {strides = array<i32>} : memref<8x4096xf32, #tpu.memory_space<vmem>>, vector<1x16xf32>,
        %get3A_829 = vector.shape_cast %get3A_828 : vector<1x16xf32> to vector<16xf32>
        %mul3A_830 = arith.mulf %get3A_829, %get3A_813 : vector<16xf32>
        %add3A_831 = arith.addf %add3A_752, %mul3A_830 : vector<16xf32>
        %mul3A_832 = arith.constant 16 : i32
        %mul3A_833 = arith.muli %scan3A_808, %mul3A_832 : i32
        %get3A_834 = arith.constant 2 : i32
        %get3A_835 = arith.index_cast %get3A_834 : i32 to index
        %get3A_836 = arith.index_cast %mul3A_833 : i32 to index
        %get3A_837 = tpu.vector_load %arg7[%get3A_835, %get3A_836] {strides = array<i32>} : memref<8x4096xf32, #tpu.memory_space<vmem>>, vector<1x16xf32>,
        %get3A_838 = vector.shape_cast %get3A_837 : vector<1x16xf32> to vector<16xf32>
        %mul3A_839 = arith.mulf %get3A_838, %get3A_813 : vector<16xf32>
        %add3A_840 = arith.addf %add3A_761, %mul3A_839 : vector<16xf32>
        %mul3A_841 = arith.constant 16 : i32
        %mul3A_842 = arith.muli %scan3A_808, %mul3A_841 : i32
        %get3A_843 = arith.constant 3 : i32
        %get3A_844 = arith.index_cast %get3A_843 : i32 to index
        %get3A_845 = arith.index_cast %mul3A_842 : i32 to index
        %get3A_846 = tpu.vector_load %arg7[%get3A_844, %get3A_845] {strides = array<i32>} : memref<8x4096xf32, #tpu.memory_space<vmem>>, vector<1x16xf32>,
        %get3A_847 = vector.shape_cast %get3A_846 : vector<1x16xf32> to vector<16xf32>
        %mul3A_848 = arith.mulf %get3A_847, %get3A_813 : vector<16xf32>
        %add3A_849 = arith.addf %add3A_770, %mul3A_848 : vector<16xf32>
        %mul3A_850 = arith.constant 16 : i32
        %mul3A_851 = arith.muli %scan3A_808, %mul3A_850 : i32
        %get3A_852 = arith.constant 4 : i32
        %get3A_853 = arith.index_cast %get3A_852 : i32 to index
        %get3A_854 = arith.index_cast %mul3A_851 : i32 to index
        %get3A_855 = tpu.vector_load %arg7[%get3A_853, %get3A_854] {strides = array<i32>} : memref<8x4096xf32, #tpu.memory_space<vmem>>, vector<1x16xf32>,
        %get3A_856 = vector.shape_cast %get3A_855 : vector<1x16xf32> to vector<16xf32>
        %mul3A_857 = arith.mulf %get3A_856, %get3A_813 : vector<16xf32>
        %add3A_858 = arith.addf %add3A_779, %mul3A_857 : vector<16xf32>
        %mul3A_859 = arith.constant 16 : i32
        %mul3A_860 = arith.muli %scan3A_808, %mul3A_859 : i32
        %get3A_861 = arith.constant 5 : i32
        %get3A_862 = arith.index_cast %get3A_861 : i32 to index
        %get3A_863 = arith.index_cast %mul3A_860 : i32 to index
        %get3A_864 = tpu.vector_load %arg7[%get3A_862, %get3A_863] {strides = array<i32>} : memref<8x4096xf32, #tpu.memory_space<vmem>>, vector<1x16xf32>,
        %get3A_865 = vector.shape_cast %get3A_864 : vector<1x16xf32> to vector<16xf32>
        %mul3A_866 = arith.mulf %get3A_865, %get3A_813 : vector<16xf32>
        %add3A_867 = arith.addf %add3A_788, %mul3A_866 : vector<16xf32>
        %mul3A_868 = arith.constant 16 : i32
        %mul3A_869 = arith.muli %scan3A_808, %mul3A_868 : i32
        %get3A_870 = arith.constant 6 : i32
        %get3A_871 = arith.index_cast %get3A_870 : i32 to index
        %get3A_872 = arith.index_cast %mul3A_869 : i32 to index
        %get3A_873 = tpu.vector_load %arg7[%get3A_871, %get3A_872] {strides = array<i32>} : memref<8x4096xf32, #tpu.memory_space<vmem>>, vector<1x16xf32>,
        %get3A_874 = vector.shape_cast %get3A_873 : vector<1x16xf32> to vector<16xf32>
        %mul3A_875 = arith.mulf %get3A_874, %get3A_813 : vector<16xf32>
        %add3A_876 = arith.addf %add3A_797, %mul3A_875 : vector<16xf32>
        %mul3A_877 = arith.constant 16 : i32
        %mul3A_878 = arith.muli %scan3A_808, %mul3A_877 : i32
        %get3A_879 = arith.constant 7 : i32
        %get3A_880 = arith.index_cast %get3A_879 : i32 to index
        %get3A_881 = arith.index_cast %mul3A_878 : i32 to index
        %get3A_882 = tpu.vector_load %arg7[%get3A_880, %get3A_881] {strides = array<i32>} : memref<8x4096xf32, #tpu.memory_space<vmem>>, vector<1x16xf32>,
        %get3A_883 = vector.shape_cast %get3A_882 : vector<1x16xf32> to vector<16xf32>
        %mul3A_884 = arith.mulf %get3A_883, %get3A_813 : vector<16xf32>
        %add3A_885 = arith.addf %add3A_806, %mul3A_884 : vector<16xf32>
        scf.yield %add3A_822, %add3A_831, %add3A_840, %add3A_849, %add3A_858, %add3A_867, %add3A_876, %add3A_885 : vector<16xf32>, vector<16xf32>, vector<16xf32>, vector<16xf32>, vector<16xf32>, vector<16xf32>, vector<16xf32>, vector<16xf32>
      }
      %scan3A_170 = arith.constant 256 : i32
      %mul3A_171 = arith.constant 2 : i32
      %mul3A_172 = arith.muli %scan3A_45, %mul3A_171 : i32
      %add3A_173 = arith.constant 1 : i32
      %add3A_174 = arith.addi %mul3A_172, %add3A_173 : i32
      %mul3A_175 = arith.constant 8 : i32
      %mul3A_176 = arith.muli %add3A_174, %mul3A_175 : i32
      %add3A_177 = arith.constant 0 : i32
      %add3A_178 = arith.addi %mul3A_176, %add3A_177 : i32
      %mul3A_179 = arith.constant 16 : i32
      %mul3A_180 = arith.muli %add3A_178, %mul3A_179 : i32
      %swap3A_181 = arith.index_cast %mul3A_180 : i32 to index
      %swap3A_182 = tpu.vector_load %arg8[%swap3A_181] {strides = array<i32>} : memref<2064xf32, #tpu.memory_space<vmem>>, vector<16xf32>,
      %swap3A_183 = vector.shape_cast %swap3A_182 : vector<16xf32> to vector<16xf32>
      %swap3A_184 = vector.shape_cast %scan3A_169#0 : vector<16xf32> to vector<16xf32>
      tpu.vector_store %arg8[%swap3A_181], %swap3A_184 {strides = array<i32>} : memref<2064xf32, #tpu.memory_space<vmem>>, vector<16xf32>,
      %add3A_185 = arith.constant 1 : i32
      %add3A_186 = arith.addi %mul3A_176, %add3A_185 : i32
      %mul3A_187 = arith.constant 16 : i32
      %mul3A_188 = arith.muli %add3A_186, %mul3A_187 : i32
      %swap3A_189 = arith.index_cast %mul3A_188 : i32 to index
      %swap3A_190 = tpu.vector_load %arg8[%swap3A_189] {strides = array<i32>} : memref<2064xf32, #tpu.memory_space<vmem>>, vector<16xf32>,
      %swap3A_191 = vector.shape_cast %swap3A_190 : vector<16xf32> to vector<16xf32>
      %swap3A_192 = vector.shape_cast %scan3A_169#1 : vector<16xf32> to vector<16xf32>
      tpu.vector_store %arg8[%swap3A_189], %swap3A_192 {strides = array<i32>} : memref<2064xf32, #tpu.memory_space<vmem>>, vector<16xf32>,
      %add3A_193 = arith.constant 2 : i32
      %add3A_194 = arith.addi %mul3A_176, %add3A_193 : i32
      %mul3A_195 = arith.constant 16 : i32
      %mul3A_196 = arith.muli %add3A_194, %mul3A_195 : i32
      %swap3A_197 = arith.index_cast %mul3A_196 : i32 to index
      %swap3A_198 = tpu.vector_load %arg8[%swap3A_197] {strides = array<i32>} : memref<2064xf32, #tpu.memory_space<vmem>>, vector<16xf32>,
      %swap3A_199 = vector.shape_cast %swap3A_198 : vector<16xf32> to vector<16xf32>
      %swap3A_200 = vector.shape_cast %scan3A_169#2 : vector<16xf32> to vector<16xf32>
      tpu.vector_store %arg8[%swap3A_197], %swap3A_200 {strides = array<i32>} : memref<2064xf32, #tpu.memory_space<vmem>>, vector<16xf32>,
      %add3A_201 = arith.constant 3 : i32
      %add3A_202 = arith.addi %mul3A_176, %add3A_201 : i32
      %mul3A_203 = arith.constant 16 : i32
      %mul3A_204 = arith.muli %add3A_202, %mul3A_203 : i32
      %swap3A_205 = arith.index_cast %mul3A_204 : i32 to index
      %swap3A_206 = tpu.vector_load %arg8[%swap3A_205] {strides = array<i32>} : memref<2064xf32, #tpu.memory_space<vmem>>, vector<16xf32>,
      %swap3A_207 = vector.shape_cast %swap3A_206 : vector<16xf32> to vector<16xf32>
      %swap3A_208 = vector.shape_cast %scan3A_169#3 : vector<16xf32> to vector<16xf32>
      tpu.vector_store %arg8[%swap3A_205], %swap3A_208 {strides = array<i32>} : memref<2064xf32, #tpu.memory_space<vmem>>, vector<16xf32>,
      %add3A_209 = arith.constant 4 : i32
      %add3A_210 = arith.addi %mul3A_176, %add3A_209 : i32
      %mul3A_211 = arith.constant 16 : i32
      %mul3A_212 = arith.muli %add3A_210, %mul3A_211 : i32
      %swap3A_213 = arith.index_cast %mul3A_212 : i32 to index
      %swap3A_214 = tpu.vector_load %arg8[%swap3A_213] {strides = array<i32>} : memref<2064xf32, #tpu.memory_space<vmem>>, vector<16xf32>,
      %swap3A_215 = vector.shape_cast %swap3A_214 : vector<16xf32> to vector<16xf32>
      %swap3A_216 = vector.shape_cast %scan3A_169#4 : vector<16xf32> to vector<16xf32>
      tpu.vector_store %arg8[%swap3A_213], %swap3A_216 {strides = array<i32>} : memref<2064xf32, #tpu.memory_space<vmem>>, vector<16xf32>,
      %add3A_217 = arith.constant 5 : i32
      %add3A_218 = arith.addi %mul3A_176, %add3A_217 : i32
      %mul3A_219 = arith.constant 16 : i32
      %mul3A_220 = arith.muli %add3A_218, %mul3A_219 : i32
      %swap3A_221 = arith.index_cast %mul3A_220 : i32 to index
      %swap3A_222 = tpu.vector_load %arg8[%swap3A_221] {strides = array<i32>} : memref<2064xf32, #tpu.memory_space<vmem>>, vector<16xf32>,
      %swap3A_223 = vector.shape_cast %swap3A_222 : vector<16xf32> to vector<16xf32>
      %swap3A_224 = vector.shape_cast %scan3A_169#5 : vector<16xf32> to vector<16xf32>
      tpu.vector_store %arg8[%swap3A_221], %swap3A_224 {strides = array<i32>} : memref<2064xf32, #tpu.memory_space<vmem>>, vector<16xf32>,
      %add3A_225 = arith.constant 6 : i32
      %add3A_226 = arith.addi %mul3A_176, %add3A_225 : i32
      %mul3A_227 = arith.constant 16 : i32
      %mul3A_228 = arith.muli %add3A_226, %mul3A_227 : i32
      %swap3A_229 = arith.index_cast %mul3A_228 : i32 to index
      %swap3A_230 = tpu.vector_load %arg8[%swap3A_229] {strides = array<i32>} : memref<2064xf32, #tpu.memory_space<vmem>>, vector<16xf32>,
      %swap3A_231 = vector.shape_cast %swap3A_230 : vector<16xf32> to vector<16xf32>
      %swap3A_232 = vector.shape_cast %scan3A_169#6 : vector<16xf32> to vector<16xf32>
      tpu.vector_store %arg8[%swap3A_229], %swap3A_232 {strides = array<i32>} : memref<2064xf32, #tpu.memory_space<vmem>>, vector<16xf32>,
      %add3A_233 = arith.constant 7 : i32
      %add3A_234 = arith.addi %mul3A_176, %add3A_233 : i32
      %mul3A_235 = arith.constant 16 : i32
      %mul3A_236 = arith.muli %add3A_234, %mul3A_235 : i32
      %swap3A_237 = arith.index_cast %mul3A_236 : i32 to index
      %swap3A_238 = tpu.vector_load %arg8[%swap3A_237] {strides = array<i32>} : memref<2064xf32, #tpu.memory_space<vmem>>, vector<16xf32>,
      %swap3A_239 = vector.shape_cast %swap3A_238 : vector<16xf32> to vector<16xf32>
      %swap3A_240 = vector.shape_cast %scan3A_169#7 : vector<16xf32> to vector<16xf32>
      tpu.vector_store %arg8[%swap3A_237], %swap3A_240 {strides = array<i32>} : memref<2064xf32, #tpu.memory_space<vmem>>, vector<16xf32>,
      %add3A_241 = arith.constant 3 : i32
      %add3A_242 = arith.addi %mul3A_47, %add3A_241 : i32
      %lt3A_243 = arith.constant 16 : i32
      %lt3A_244 = arith.cmpi slt, %add3A_242, %lt3A_243 : i32
      %convert_element_type3A_245 = arith.extui %lt3A_244 : i1 to i32
      %cond3A_246 = arith.constant 0 : i32
      %cond3A_247 = arith.cmpi ne, %convert_element_type3A_245, %cond3A_246 : i32
      scf.if %cond3A_247 {
        %add3A_248 = arith.constant 3 : i32
        %add3A_249 = arith.addi %mul3A_47, %add3A_248 : i32
        %mul3A_250 = arith.constant 8 : i32
        %mul3A_251 = arith.muli %add3A_249, %mul3A_250 : i32
        %add3A_252 = arith.addi %add3A_4, %mul3A_251 : i32
        %dma_start3A_253 = arith.constant 0 : i32
        %dma_start3A_254 = tpu.memref_slice %arg2[%add3A_252, %dma_start3A_253] : memref<16384x4096xf32, #tpu.memory_space<hbm>> -> memref<8x4096xf32, #tpu.memory_space<hbm>>
        %dma_start3A_255 = arith.constant 0 : i32
        %dma_start3A_256 = tpu.memref_slice %arg2[%add3A_252, %dma_start3A_255] : memref<16384x4096xf32, #tpu.memory_space<hbm>> -> memref<8x4096xf32, #tpu.memory_space<hbm>>
        tpu.enqueue_dma source(%dma_start3A_256 : memref<8x4096xf32, #tpu.memory_space<hbm>>) target(%arg7 : memref<8x4096xf32, #tpu.memory_space<vmem>>) target_semaphore(%arg12 : memref<!tpu.dma_semaphore, #tpu.memory_space<semaphore_mem>>)
      } else {
      }
    }
    %scan3A_18 = arith.constant 8 : i32
    %scan3A_19 = arith.constant 0 : i32
    %scan3A_20 = arith.constant 0 : i32
    %scan3A_21 = arith.constant 128 : i32
    %scan3A_22 = arith.addi %scan3A_20, %scan3A_21 : i32
    %scan3A_23 = arith.constant 4 : i32
    scf.for %scan3A_45 = %scan3A_20 to %scan3A_22 step %scan3A_23  : i32 {
      %mul3A_46 = arith.constant 16 : i32
      %mul3A_47 = arith.muli %scan3A_45, %mul3A_46 : i32
      %get3A = arith.index_cast %mul3A_47 : i32 to index
      %get3A_48 = tpu.vector_load %arg8[%get3A] {strides = array<i32>} : memref<2064xf32, #tpu.memory_space<vmem>>, vector<16xf32>,
      %get3A_49 = vector.shape_cast %get3A_48 : vector<16xf32> to vector<16xf32>
      %mul3A_50 = arith.constant 16 : i32
      %mul3A_51 = arith.muli %scan3A_45, %mul3A_50 : i32
      %add3A_52 = arith.constant 8 : i32
      %add3A_53 = arith.addi %mul3A_51, %add3A_52 : i32
      %get3A_54 = arith.index_cast %add3A_53 : i32 to index
      %get3A_55 = tpu.vector_load %arg8[%get3A_54] {strides = array<i32>} : memref<2064xf32, #tpu.memory_space<vmem>>, vector<16xf32>,
      %get3A_56 = vector.shape_cast %get3A_55 : vector<16xf32> to vector<16xf32>
      %add3A_57 = arith.addf %get3A_49, %get3A_56 : vector<16xf32>
      %mul3A_58 = arith.constant 16 : i32
      %mul3A_59 = arith.muli %scan3A_45, %mul3A_58 : i32
      %swap3A = arith.index_cast %mul3A_59 : i32 to index
      %swap3A_60 = tpu.vector_load %arg8[%swap3A] {strides = array<i32>} : memref<2064xf32, #tpu.memory_space<vmem>>, vector<16xf32>,
      %swap3A_61 = vector.shape_cast %swap3A_60 : vector<16xf32> to vector<16xf32>
      %swap3A_62 = vector.shape_cast %add3A_57 : vector<16xf32> to vector<16xf32>
      tpu.vector_store %arg8[%swap3A], %swap3A_62 {strides = array<i32>} : memref<2064xf32, #tpu.memory_space<vmem>>, vector<16xf32>,
      %scan3A_63 = arith.constant 1 : i32
      %scan3A_64 = arith.addi %scan3A_45, %scan3A_63 : i32
      %mul3A_65 = arith.constant 16 : i32
      %mul3A_66 = arith.muli %scan3A_64, %mul3A_65 : i32
      %get3A_67 = arith.index_cast %mul3A_66 : i32 to index
      %get3A_68 = tpu.vector_load %arg8[%get3A_67] {strides = array<i32>} : memref<2064xf32, #tpu.memory_space<vmem>>, vector<16xf32>,
      %get3A_69 = vector.shape_cast %get3A_68 : vector<16xf32> to vector<16xf32>
      %mul3A_70 = arith.constant 16 : i32
      %mul3A_71 = arith.muli %scan3A_64, %mul3A_70 : i32
      %add3A_72 = arith.constant 8 : i32
      %add3A_73 = arith.addi %mul3A_71, %add3A_72 : i32
      %get3A_74 = arith.index_cast %add3A_73 : i32 to index
      %get3A_75 = tpu.vector_load %arg8[%get3A_74] {strides = array<i32>} : memref<2064xf32, #tpu.memory_space<vmem>>, vector<16xf32>,
      %get3A_76 = vector.shape_cast %get3A_75 : vector<16xf32> to vector<16xf32>
      %add3A_77 = arith.addf %get3A_69, %get3A_76 : vector<16xf32>
      %mul3A_78 = arith.constant 16 : i32
      %mul3A_79 = arith.muli %scan3A_64, %mul3A_78 : i32
      %swap3A_80 = arith.index_cast %mul3A_79 : i32 to index
      %swap3A_81 = tpu.vector_load %arg8[%swap3A_80] {strides = array<i32>} : memref<2064xf32, #tpu.memory_space<vmem>>, vector<16xf32>,
      %swap3A_82 = vector.shape_cast %swap3A_81 : vector<16xf32> to vector<16xf32>
      %swap3A_83 = vector.shape_cast %add3A_77 : vector<16xf32> to vector<16xf32>
      tpu.vector_store %arg8[%swap3A_80], %swap3A_83 {strides = array<i32>} : memref<2064xf32, #tpu.memory_space<vmem>>, vector<16xf32>,
      %scan3A_84 = arith.constant 2 : i32
      %scan3A_85 = arith.addi %scan3A_45, %scan3A_84 : i32
      %mul3A_86 = arith.constant 16 : i32
      %mul3A_87 = arith.muli %scan3A_85, %mul3A_86 : i32
      %get3A_88 = arith.index_cast %mul3A_87 : i32 to index
      %get3A_89 = tpu.vector_load %arg8[%get3A_88] {strides = array<i32>} : memref<2064xf32, #tpu.memory_space<vmem>>, vector<16xf32>,
      %get3A_90 = vector.shape_cast %get3A_89 : vector<16xf32> to vector<16xf32>
      %mul3A_91 = arith.constant 16 : i32
      %mul3A_92 = arith.muli %scan3A_85, %mul3A_91 : i32
      %add3A_93 = arith.constant 8 : i32
      %add3A_94 = arith.addi %mul3A_92, %add3A_93 : i32
      %get3A_95 = arith.index_cast %add3A_94 : i32 to index
      %get3A_96 = tpu.vector_load %arg8[%get3A_95] {strides = array<i32>} : memref<2064xf32, #tpu.memory_space<vmem>>, vector<16xf32>,
      %get3A_97 = vector.shape_cast %get3A_96 : vector<16xf32> to vector<16xf32>
      %add3A_98 = arith.addf %get3A_90, %get3A_97 : vector<16xf32>
      %mul3A_99 = arith.constant 16 : i32
      %mul3A_100 = arith.muli %scan3A_85, %mul3A_99 : i32
      %swap3A_101 = arith.index_cast %mul3A_100 : i32 to index
      %swap3A_102 = tpu.vector_load %arg8[%swap3A_101] {strides = array<i32>} : memref<2064xf32, #tpu.memory_space<vmem>>, vector<16xf32>,
      %swap3A_103 = vector.shape_cast %swap3A_102 : vector<16xf32> to vector<16xf32>
      %swap3A_104 = vector.shape_cast %add3A_98 : vector<16xf32> to vector<16xf32>
      tpu.vector_store %arg8[%swap3A_101], %swap3A_104 {strides = array<i32>} : memref<2064xf32, #tpu.memory_space<vmem>>, vector<16xf32>,
      %scan3A_105 = arith.constant 3 : i32
      %scan3A_106 = arith.addi %scan3A_45, %scan3A_105 : i32
      %mul3A_107 = arith.constant 16 : i32
      %mul3A_108 = arith.muli %scan3A_106, %mul3A_107 : i32
      %get3A_109 = arith.index_cast %mul3A_108 : i32 to index
      %get3A_110 = tpu.vector_load %arg8[%get3A_109] {strides = array<i32>} : memref<2064xf32, #tpu.memory_space<vmem>>, vector<16xf32>,
      %get3A_111 = vector.shape_cast %get3A_110 : vector<16xf32> to vector<16xf32>
      %mul3A_112 = arith.constant 16 : i32
      %mul3A_113 = arith.muli %scan3A_106, %mul3A_112 : i32
      %add3A_114 = arith.constant 8 : i32
      %add3A_115 = arith.addi %mul3A_113, %add3A_114 : i32
      %get3A_116 = arith.index_cast %add3A_115 : i32 to index
      %get3A_117 = tpu.vector_load %arg8[%get3A_116] {strides = array<i32>} : memref<2064xf32, #tpu.memory_space<vmem>>, vector<16xf32>,
      %get3A_118 = vector.shape_cast %get3A_117 : vector<16xf32> to vector<16xf32>
      %add3A_119 = arith.addf %get3A_111, %get3A_118 : vector<16xf32>
      %mul3A_120 = arith.constant 16 : i32
      %mul3A_121 = arith.muli %scan3A_106, %mul3A_120 : i32
      %swap3A_122 = arith.index_cast %mul3A_121 : i32 to index
      %swap3A_123 = tpu.vector_load %arg8[%swap3A_122] {strides = array<i32>} : memref<2064xf32, #tpu.memory_space<vmem>>, vector<16xf32>,
      %swap3A_124 = vector.shape_cast %swap3A_123 : vector<16xf32> to vector<16xf32>
      %swap3A_125 = vector.shape_cast %add3A_119 : vector<16xf32> to vector<16xf32>
      tpu.vector_store %arg8[%swap3A_122], %swap3A_125 {strides = array<i32>} : memref<2064xf32, #tpu.memory_space<vmem>>, vector<16xf32>,
    }
    %scan3A_24 = arith.constant 128 : i32
    %scan3A_25 = arith.constant 0 : i32
    %scan3A_26 = arith.constant 0 : i32
    %scan3A_27 = arith.constant 128 : i32
    %scan3A_28 = arith.addi %scan3A_26, %scan3A_27 : i32
    %scan3A_29 = arith.constant 4 : i32
    scf.for %scan3A_45 = %scan3A_26 to %scan3A_28 step %scan3A_29  : i32 {
      %mul3A_46 = arith.constant 16 : i32
      %mul3A_47 = arith.muli %scan3A_45, %mul3A_46 : i32
      %get3A = arith.index_cast %mul3A_47 : i32 to index
      %get3A_48 = tpu.vector_load %arg8[%get3A] {strides = array<i32>} : memref<2064xf32, #tpu.memory_space<vmem>>, vector<16xf32>,
      %get3A_49 = vector.shape_cast %get3A_48 : vector<16xf32> to vector<16xf32>
      %mul3A_50 = arith.constant 16 : i32
      %mul3A_51 = arith.muli %scan3A_45, %mul3A_50 : i32
      %add3A_52 = arith.constant 4 : i32
      %add3A_53 = arith.addi %mul3A_51, %add3A_52 : i32
      %get3A_54 = arith.index_cast %add3A_53 : i32 to index
      %get3A_55 = tpu.vector_load %arg8[%get3A_54] {strides = array<i32>} : memref<2064xf32, #tpu.memory_space<vmem>>, vector<16xf32>,
      %get3A_56 = vector.shape_cast %get3A_55 : vector<16xf32> to vector<16xf32>
      %add3A_57 = arith.addf %get3A_49, %get3A_56 : vector<16xf32>
      %mul3A_58 = arith.constant 16 : i32
      %mul3A_59 = arith.muli %scan3A_45, %mul3A_58 : i32
      %swap3A = arith.index_cast %mul3A_59 : i32 to index
      %swap3A_60 = tpu.vector_load %arg8[%swap3A] {strides = array<i32>} : memref<2064xf32, #tpu.memory_space<vmem>>, vector<16xf32>,
      %swap3A_61 = vector.shape_cast %swap3A_60 : vector<16xf32> to vector<16xf32>
      %swap3A_62 = vector.shape_cast %add3A_57 : vector<16xf32> to vector<16xf32>
      tpu.vector_store %arg8[%swap3A], %swap3A_62 {strides = array<i32>} : memref<2064xf32, #tpu.memory_space<vmem>>, vector<16xf32>,
      %scan3A_63 = arith.constant 1 : i32
      %scan3A_64 = arith.addi %scan3A_45, %scan3A_63 : i32
      %mul3A_65 = arith.constant 16 : i32
      %mul3A_66 = arith.muli %scan3A_64, %mul3A_65 : i32
      %get3A_67 = arith.index_cast %mul3A_66 : i32 to index
      %get3A_68 = tpu.vector_load %arg8[%get3A_67] {strides = array<i32>} : memref<2064xf32, #tpu.memory_space<vmem>>, vector<16xf32>,
      %get3A_69 = vector.shape_cast %get3A_68 : vector<16xf32> to vector<16xf32>
      %mul3A_70 = arith.constant 16 : i32
      %mul3A_71 = arith.muli %scan3A_64, %mul3A_70 : i32
      %add3A_72 = arith.constant 4 : i32
      %add3A_73 = arith.addi %mul3A_71, %add3A_72 : i32
      %get3A_74 = arith.index_cast %add3A_73 : i32 to index
      %get3A_75 = tpu.vector_load %arg8[%get3A_74] {strides = array<i32>} : memref<2064xf32, #tpu.memory_space<vmem>>, vector<16xf32>,
      %get3A_76 = vector.shape_cast %get3A_75 : vector<16xf32> to vector<16xf32>
      %add3A_77 = arith.addf %get3A_69, %get3A_76 : vector<16xf32>
      %mul3A_78 = arith.constant 16 : i32
      %mul3A_79 = arith.muli %scan3A_64, %mul3A_78 : i32
      %swap3A_80 = arith.index_cast %mul3A_79 : i32 to index
      %swap3A_81 = tpu.vector_load %arg8[%swap3A_80] {strides = array<i32>} : memref<2064xf32, #tpu.memory_space<vmem>>, vector<16xf32>,
      %swap3A_82 = vector.shape_cast %swap3A_81 : vector<16xf32> to vector<16xf32>
      %swap3A_83 = vector.shape_cast %add3A_77 : vector<16xf32> to vector<16xf32>
      tpu.vector_store %arg8[%swap3A_80], %swap3A_83 {strides = array<i32>} : memref<2064xf32, #tpu.memory_space<vmem>>, vector<16xf32>,
      %scan3A_84 = arith.constant 2 : i32
      %scan3A_85 = arith.addi %scan3A_45, %scan3A_84 : i32
      %mul3A_86 = arith.constant 16 : i32
      %mul3A_87 = arith.muli %scan3A_85, %mul3A_86 : i32
      %get3A_88 = arith.index_cast %mul3A_87 : i32 to index
      %get3A_89 = tpu.vector_load %arg8[%get3A_88] {strides = array<i32>} : memref<2064xf32, #tpu.memory_space<vmem>>, vector<16xf32>,
      %get3A_90 = vector.shape_cast %get3A_89 : vector<16xf32> to vector<16xf32>
      %mul3A_91 = arith.constant 16 : i32
      %mul3A_92 = arith.muli %scan3A_85, %mul3A_91 : i32
      %add3A_93 = arith.constant 4 : i32
      %add3A_94 = arith.addi %mul3A_92, %add3A_93 : i32
      %get3A_95 = arith.index_cast %add3A_94 : i32 to index
      %get3A_96 = tpu.vector_load %arg8[%get3A_95] {strides = array<i32>} : memref<2064xf32, #tpu.memory_space<vmem>>, vector<16xf32>,
      %get3A_97 = vector.shape_cast %get3A_96 : vector<16xf32> to vector<16xf32>
      %add3A_98 = arith.addf %get3A_90, %get3A_97 : vector<16xf32>
      %mul3A_99 = arith.constant 16 : i32
      %mul3A_100 = arith.muli %scan3A_85, %mul3A_99 : i32
      %swap3A_101 = arith.index_cast %mul3A_100 : i32 to index
      %swap3A_102 = tpu.vector_load %arg8[%swap3A_101] {strides = array<i32>} : memref<2064xf32, #tpu.memory_space<vmem>>, vector<16xf32>,
      %swap3A_103 = vector.shape_cast %swap3A_102 : vector<16xf32> to vector<16xf32>
      %swap3A_104 = vector.shape_cast %add3A_98 : vector<16xf32> to vector<16xf32>
      tpu.vector_store %arg8[%swap3A_101], %swap3A_104 {strides = array<i32>} : memref<2064xf32, #tpu.memory_space<vmem>>, vector<16xf32>,
      %scan3A_105 = arith.constant 3 : i32
      %scan3A_106 = arith.addi %scan3A_45, %scan3A_105 : i32
      %mul3A_107 = arith.constant 16 : i32
      %mul3A_108 = arith.muli %scan3A_106, %mul3A_107 : i32
      %get3A_109 = arith.index_cast %mul3A_108 : i32 to index
      %get3A_110 = tpu.vector_load %arg8[%get3A_109] {strides = array<i32>} : memref<2064xf32, #tpu.memory_space<vmem>>, vector<16xf32>,
      %get3A_111 = vector.shape_cast %get3A_110 : vector<16xf32> to vector<16xf32>
      %mul3A_112 = arith.constant 16 : i32
      %mul3A_113 = arith.muli %scan3A_106, %mul3A_112 : i32
      %add3A_114 = arith.constant 4 : i32
      %add3A_115 = arith.addi %mul3A_113, %add3A_114 : i32
      %get3A_116 = arith.index_cast %add3A_115 : i32 to index
      %get3A_117 = tpu.vector_load %arg8[%get3A_116] {strides = array<i32>} : memref<2064xf32, #tpu.memory_space<vmem>>, vector<16xf32>,
      %get3A_118 = vector.shape_cast %get3A_117 : vector<16xf32> to vector<16xf32>
      %add3A_119 = arith.addf %get3A_111, %get3A_118 : vector<16xf32>
      %mul3A_120 = arith.constant 16 : i32
      %mul3A_121 = arith.muli %scan3A_106, %mul3A_120 : i32
      %swap3A_122 = arith.index_cast %mul3A_121 : i32 to index
      %swap3A_123 = tpu.vector_load %arg8[%swap3A_122] {strides = array<i32>} : memref<2064xf32, #tpu.memory_space<vmem>>, vector<16xf32>,
      %swap3A_124 = vector.shape_cast %swap3A_123 : vector<16xf32> to vector<16xf32>
      %swap3A_125 = vector.shape_cast %add3A_119 : vector<16xf32> to vector<16xf32>
      tpu.vector_store %arg8[%swap3A_122], %swap3A_125 {strides = array<i32>} : memref<2064xf32, #tpu.memory_space<vmem>>, vector<16xf32>,
    }
    %scan3A_30 = arith.constant 128 : i32
    %scan3A_31 = arith.constant 0 : i32
    %scan3A_32 = arith.constant 0 : i32
    %scan3A_33 = arith.constant 128 : i32
    %scan3A_34 = arith.addi %scan3A_32, %scan3A_33 : i32
    %scan3A_35 = arith.constant 4 : i32
    scf.for %scan3A_45 = %scan3A_32 to %scan3A_34 step %scan3A_35  : i32 {
      %mul3A_46 = arith.constant 16 : i32
      %mul3A_47 = arith.muli %scan3A_45, %mul3A_46 : i32
      %get3A = arith.index_cast %mul3A_47 : i32 to index
      %get3A_48 = tpu.vector_load %arg8[%get3A] {strides = array<i32>} : memref<2064xf32, #tpu.memory_space<vmem>>, vector<16xf32>,
      %get3A_49 = vector.shape_cast %get3A_48 : vector<16xf32> to vector<16xf32>
      %mul3A_50 = arith.constant 16 : i32
      %mul3A_51 = arith.muli %scan3A_45, %mul3A_50 : i32
      %add3A_52 = arith.constant 2 : i32
      %add3A_53 = arith.addi %mul3A_51, %add3A_52 : i32
      %get3A_54 = arith.index_cast %add3A_53 : i32 to index
      %get3A_55 = tpu.vector_load %arg8[%get3A_54] {strides = array<i32>} : memref<2064xf32, #tpu.memory_space<vmem>>, vector<16xf32>,
      %get3A_56 = vector.shape_cast %get3A_55 : vector<16xf32> to vector<16xf32>
      %add3A_57 = arith.addf %get3A_49, %get3A_56 : vector<16xf32>
      %mul3A_58 = arith.constant 16 : i32
      %mul3A_59 = arith.muli %scan3A_45, %mul3A_58 : i32
      %swap3A = arith.index_cast %mul3A_59 : i32 to index
      %swap3A_60 = tpu.vector_load %arg8[%swap3A] {strides = array<i32>} : memref<2064xf32, #tpu.memory_space<vmem>>, vector<16xf32>,
      %swap3A_61 = vector.shape_cast %swap3A_60 : vector<16xf32> to vector<16xf32>
      %swap3A_62 = vector.shape_cast %add3A_57 : vector<16xf32> to vector<16xf32>
      tpu.vector_store %arg8[%swap3A], %swap3A_62 {strides = array<i32>} : memref<2064xf32, #tpu.memory_space<vmem>>, vector<16xf32>,
      %scan3A_63 = arith.constant 1 : i32
      %scan3A_64 = arith.addi %scan3A_45, %scan3A_63 : i32
      %mul3A_65 = arith.constant 16 : i32
      %mul3A_66 = arith.muli %scan3A_64, %mul3A_65 : i32
      %get3A_67 = arith.index_cast %mul3A_66 : i32 to index
      %get3A_68 = tpu.vector_load %arg8[%get3A_67] {strides = array<i32>} : memref<2064xf32, #tpu.memory_space<vmem>>, vector<16xf32>,
      %get3A_69 = vector.shape_cast %get3A_68 : vector<16xf32> to vector<16xf32>
      %mul3A_70 = arith.constant 16 : i32
      %mul3A_71 = arith.muli %scan3A_64, %mul3A_70 : i32
      %add3A_72 = arith.constant 2 : i32
      %add3A_73 = arith.addi %mul3A_71, %add3A_72 : i32
      %get3A_74 = arith.index_cast %add3A_73 : i32 to index
      %get3A_75 = tpu.vector_load %arg8[%get3A_74] {strides = array<i32>} : memref<2064xf32, #tpu.memory_space<vmem>>, vector<16xf32>,
      %get3A_76 = vector.shape_cast %get3A_75 : vector<16xf32> to vector<16xf32>
      %add3A_77 = arith.addf %get3A_69, %get3A_76 : vector<16xf32>
      %mul3A_78 = arith.constant 16 : i32
      %mul3A_79 = arith.muli %scan3A_64, %mul3A_78 : i32
      %swap3A_80 = arith.index_cast %mul3A_79 : i32 to index
      %swap3A_81 = tpu.vector_load %arg8[%swap3A_80] {strides = array<i32>} : memref<2064xf32, #tpu.memory_space<vmem>>, vector<16xf32>,
      %swap3A_82 = vector.shape_cast %swap3A_81 : vector<16xf32> to vector<16xf32>
      %swap3A_83 = vector.shape_cast %add3A_77 : vector<16xf32> to vector<16xf32>
      tpu.vector_store %arg8[%swap3A_80], %swap3A_83 {strides = array<i32>} : memref<2064xf32, #tpu.memory_space<vmem>>, vector<16xf32>,
      %scan3A_84 = arith.constant 2 : i32
      %scan3A_85 = arith.addi %scan3A_45, %scan3A_84 : i32
      %mul3A_86 = arith.constant 16 : i32
      %mul3A_87 = arith.muli %scan3A_85, %mul3A_86 : i32
      %get3A_88 = arith.index_cast %mul3A_87 : i32 to index
      %get3A_89 = tpu.vector_load %arg8[%get3A_88] {strides = array<i32>} : memref<2064xf32, #tpu.memory_space<vmem>>, vector<16xf32>,
      %get3A_90 = vector.shape_cast %get3A_89 : vector<16xf32> to vector<16xf32>
      %mul3A_91 = arith.constant 16 : i32
      %mul3A_92 = arith.muli %scan3A_85, %mul3A_91 : i32
      %add3A_93 = arith.constant 2 : i32
      %add3A_94 = arith.addi %mul3A_92, %add3A_93 : i32
      %get3A_95 = arith.index_cast %add3A_94 : i32 to index
      %get3A_96 = tpu.vector_load %arg8[%get3A_95] {strides = array<i32>} : memref<2064xf32, #tpu.memory_space<vmem>>, vector<16xf32>,
      %get3A_97 = vector.shape_cast %get3A_96 : vector<16xf32> to vector<16xf32>
      %add3A_98 = arith.addf %get3A_90, %get3A_97 : vector<16xf32>
      %mul3A_99 = arith.constant 16 : i32
      %mul3A_100 = arith.muli %scan3A_85, %mul3A_99 : i32
      %swap3A_101 = arith.index_cast %mul3A_100 : i32 to index
      %swap3A_102 = tpu.vector_load %arg8[%swap3A_101] {strides = array<i32>} : memref<2064xf32, #tpu.memory_space<vmem>>, vector<16xf32>,
      %swap3A_103 = vector.shape_cast %swap3A_102 : vector<16xf32> to vector<16xf32>
      %swap3A_104 = vector.shape_cast %add3A_98 : vector<16xf32> to vector<16xf32>
      tpu.vector_store %arg8[%swap3A_101], %swap3A_104 {strides = array<i32>} : memref<2064xf32, #tpu.memory_space<vmem>>, vector<16xf32>,
      %scan3A_105 = arith.constant 3 : i32
      %scan3A_106 = arith.addi %scan3A_45, %scan3A_105 : i32
      %mul3A_107 = arith.constant 16 : i32
      %mul3A_108 = arith.muli %scan3A_106, %mul3A_107 : i32
      %get3A_109 = arith.index_cast %mul3A_108 : i32 to index
      %get3A_110 = tpu.vector_load %arg8[%get3A_109] {strides = array<i32>} : memref<2064xf32, #tpu.memory_space<vmem>>, vector<16xf32>,
      %get3A_111 = vector.shape_cast %get3A_110 : vector<16xf32> to vector<16xf32>
      %mul3A_112 = arith.constant 16 : i32
      %mul3A_113 = arith.muli %scan3A_106, %mul3A_112 : i32
      %add3A_114 = arith.constant 2 : i32
      %add3A_115 = arith.addi %mul3A_113, %add3A_114 : i32
      %get3A_116 = arith.index_cast %add3A_115 : i32 to index
      %get3A_117 = tpu.vector_load %arg8[%get3A_116] {strides = array<i32>} : memref<2064xf32, #tpu.memory_space<vmem>>, vector<16xf32>,
      %get3A_118 = vector.shape_cast %get3A_117 : vector<16xf32> to vector<16xf32>
      %add3A_119 = arith.addf %get3A_111, %get3A_118 : vector<16xf32>
      %mul3A_120 = arith.constant 16 : i32
      %mul3A_121 = arith.muli %scan3A_106, %mul3A_120 : i32
      %swap3A_122 = arith.index_cast %mul3A_121 : i32 to index
      %swap3A_123 = tpu.vector_load %arg8[%swap3A_122] {strides = array<i32>} : memref<2064xf32, #tpu.memory_space<vmem>>, vector<16xf32>,
      %swap3A_124 = vector.shape_cast %swap3A_123 : vector<16xf32> to vector<16xf32>
      %swap3A_125 = vector.shape_cast %add3A_119 : vector<16xf32> to vector<16xf32>
      tpu.vector_store %arg8[%swap3A_122], %swap3A_125 {strides = array<i32>} : memref<2064xf32, #tpu.memory_space<vmem>>, vector<16xf32>,
    }
    %scan3A_36 = arith.constant 128 : i32
    %scan3A_37 = arith.constant 0 : i32
    %scan3A_38 = arith.constant 0 : i32
    %scan3A_39 = arith.constant 128 : i32
    %scan3A_40 = arith.addi %scan3A_38, %scan3A_39 : i32
    %scan3A_41 = arith.constant 4 : i32
    scf.for %scan3A_45 = %scan3A_38 to %scan3A_40 step %scan3A_41  : i32 {
      %mul3A_46 = arith.constant 16 : i32
      %mul3A_47 = arith.muli %scan3A_45, %mul3A_46 : i32
      %get3A = arith.index_cast %mul3A_47 : i32 to index
      %get3A_48 = tpu.vector_load %arg8[%get3A] {strides = array<i32>} : memref<2064xf32, #tpu.memory_space<vmem>>, vector<16xf32>,
      %get3A_49 = vector.shape_cast %get3A_48 : vector<16xf32> to vector<16xf32>
      %mul3A_50 = arith.constant 16 : i32
      %mul3A_51 = arith.muli %scan3A_45, %mul3A_50 : i32
      %add3A_52 = arith.constant 1 : i32
      %add3A_53 = arith.addi %mul3A_51, %add3A_52 : i32
      %get3A_54 = arith.index_cast %add3A_53 : i32 to index
      %get3A_55 = tpu.vector_load %arg8[%get3A_54] {strides = array<i32>} : memref<2064xf32, #tpu.memory_space<vmem>>, vector<16xf32>,
      %get3A_56 = vector.shape_cast %get3A_55 : vector<16xf32> to vector<16xf32>
      %add3A_57 = arith.addf %get3A_49, %get3A_56 : vector<16xf32>
      %swap3A = arith.index_cast %scan3A_45 : i32 to index
      %swap3A_58 = arith.constant 0 : index
      %swap3A_59 = tpu.vector_load %arg9[%swap3A, %swap3A_58] {strides = array<i32>} : memref<128x16xf32, #tpu.memory_space<vmem>>, vector<1x16xf32>,
      %swap3A_60 = vector.shape_cast %swap3A_59 : vector<1x16xf32> to vector<16xf32>
      %swap3A_61 = vector.shape_cast %add3A_57 : vector<16xf32> to vector<1x16xf32>
      tpu.vector_store %arg9[%swap3A, %swap3A_58], %swap3A_61 {strides = array<i32>} : memref<128x16xf32, #tpu.memory_space<vmem>>, vector<1x16xf32>,
      %scan3A_62 = arith.constant 1 : i32
      %scan3A_63 = arith.addi %scan3A_45, %scan3A_62 : i32
      %mul3A_64 = arith.constant 16 : i32
      %mul3A_65 = arith.muli %scan3A_63, %mul3A_64 : i32
      %get3A_66 = arith.index_cast %mul3A_65 : i32 to index
      %get3A_67 = tpu.vector_load %arg8[%get3A_66] {strides = array<i32>} : memref<2064xf32, #tpu.memory_space<vmem>>, vector<16xf32>,
      %get3A_68 = vector.shape_cast %get3A_67 : vector<16xf32> to vector<16xf32>
      %mul3A_69 = arith.constant 16 : i32
      %mul3A_70 = arith.muli %scan3A_63, %mul3A_69 : i32
      %add3A_71 = arith.constant 1 : i32
      %add3A_72 = arith.addi %mul3A_70, %add3A_71 : i32
      %get3A_73 = arith.index_cast %add3A_72 : i32 to index
      %get3A_74 = tpu.vector_load %arg8[%get3A_73] {strides = array<i32>} : memref<2064xf32, #tpu.memory_space<vmem>>, vector<16xf32>,
      %get3A_75 = vector.shape_cast %get3A_74 : vector<16xf32> to vector<16xf32>
      %add3A_76 = arith.addf %get3A_68, %get3A_75 : vector<16xf32>
      %swap3A_77 = arith.index_cast %scan3A_63 : i32 to index
      %swap3A_78 = arith.constant 0 : index
      %swap3A_79 = tpu.vector_load %arg9[%swap3A_77, %swap3A_78] {strides = array<i32>} : memref<128x16xf32, #tpu.memory_space<vmem>>, vector<1x16xf32>,
      %swap3A_80 = vector.shape_cast %swap3A_79 : vector<1x16xf32> to vector<16xf32>
      %swap3A_81 = vector.shape_cast %add3A_76 : vector<16xf32> to vector<1x16xf32>
      tpu.vector_store %arg9[%swap3A_77, %swap3A_78], %swap3A_81 {strides = array<i32>} : memref<128x16xf32, #tpu.memory_space<vmem>>, vector<1x16xf32>,
      %scan3A_82 = arith.constant 2 : i32
      %scan3A_83 = arith.addi %scan3A_45, %scan3A_82 : i32
      %mul3A_84 = arith.constant 16 : i32
      %mul3A_85 = arith.muli %scan3A_83, %mul3A_84 : i32
      %get3A_86 = arith.index_cast %mul3A_85 : i32 to index
      %get3A_87 = tpu.vector_load %arg8[%get3A_86] {strides = array<i32>} : memref<2064xf32, #tpu.memory_space<vmem>>, vector<16xf32>,
      %get3A_88 = vector.shape_cast %get3A_87 : vector<16xf32> to vector<16xf32>
      %mul3A_89 = arith.constant 16 : i32
      %mul3A_90 = arith.muli %scan3A_83, %mul3A_89 : i32
      %add3A_91 = arith.constant 1 : i32
      %add3A_92 = arith.addi %mul3A_90, %add3A_91 : i32
      %get3A_93 = arith.index_cast %add3A_92 : i32 to index
      %get3A_94 = tpu.vector_load %arg8[%get3A_93] {strides = array<i32>} : memref<2064xf32, #tpu.memory_space<vmem>>, vector<16xf32>,
      %get3A_95 = vector.shape_cast %get3A_94 : vector<16xf32> to vector<16xf32>
      %add3A_96 = arith.addf %get3A_88, %get3A_95 : vector<16xf32>
      %swap3A_97 = arith.index_cast %scan3A_83 : i32 to index
      %swap3A_98 = arith.constant 0 : index
      %swap3A_99 = tpu.vector_load %arg9[%swap3A_97, %swap3A_98] {strides = array<i32>} : memref<128x16xf32, #tpu.memory_space<vmem>>, vector<1x16xf32>,
      %swap3A_100 = vector.shape_cast %swap3A_99 : vector<1x16xf32> to vector<16xf32>
      %swap3A_101 = vector.shape_cast %add3A_96 : vector<16xf32> to vector<1x16xf32>
      tpu.vector_store %arg9[%swap3A_97, %swap3A_98], %swap3A_101 {strides = array<i32>} : memref<128x16xf32, #tpu.memory_space<vmem>>, vector<1x16xf32>,
      %scan3A_102 = arith.constant 3 : i32
      %scan3A_103 = arith.addi %scan3A_45, %scan3A_102 : i32
      %mul3A_104 = arith.constant 16 : i32
      %mul3A_105 = arith.muli %scan3A_103, %mul3A_104 : i32
      %get3A_106 = arith.index_cast %mul3A_105 : i32 to index
      %get3A_107 = tpu.vector_load %arg8[%get3A_106] {strides = array<i32>} : memref<2064xf32, #tpu.memory_space<vmem>>, vector<16xf32>,
      %get3A_108 = vector.shape_cast %get3A_107 : vector<16xf32> to vector<16xf32>
      %mul3A_109 = arith.constant 16 : i32
      %mul3A_110 = arith.muli %scan3A_103, %mul3A_109 : i32
      %add3A_111 = arith.constant 1 : i32
      %add3A_112 = arith.addi %mul3A_110, %add3A_111 : i32
      %get3A_113 = arith.index_cast %add3A_112 : i32 to index
      %get3A_114 = tpu.vector_load %arg8[%get3A_113] {strides = array<i32>} : memref<2064xf32, #tpu.memory_space<vmem>>, vector<16xf32>,
      %get3A_115 = vector.shape_cast %get3A_114 : vector<16xf32> to vector<16xf32>
      %add3A_116 = arith.addf %get3A_108, %get3A_115 : vector<16xf32>
      %swap3A_117 = arith.index_cast %scan3A_103 : i32 to index
      %swap3A_118 = arith.constant 0 : index
      %swap3A_119 = tpu.vector_load %arg9[%swap3A_117, %swap3A_118] {strides = array<i32>} : memref<128x16xf32, #tpu.memory_space<vmem>>, vector<1x16xf32>,
      %swap3A_120 = vector.shape_cast %swap3A_119 : vector<1x16xf32> to vector<16xf32>
      %swap3A_121 = vector.shape_cast %add3A_116 : vector<16xf32> to vector<1x16xf32>
      tpu.vector_store %arg9[%swap3A_117, %swap3A_118], %swap3A_121 {strides = array<i32>} : memref<128x16xf32, #tpu.memory_space<vmem>>, vector<1x16xf32>,
    }
    %scan3A_42 = arith.constant 128 : i32
    %run_scoped3A = arith.constant 0 : i32
    "tpu.region"() ({
      %run_scoped3A_45 = tpu.sem_alloc : memref<!tpu.dma_semaphore, #tpu.memory_space<semaphore_mem>>
      %dma_start3A_46 = arith.constant 0 : i32
      %dma_start3A_47 = tpu.memref_slice %arg9[%dma_start3A_46, %run_scoped3A] : memref<128x16xf32, #tpu.memory_space<vmem>> -> memref<128x1xf32, #tpu.memory_space<vmem>>
      %dma_start3A_48 = tpu.memref_squeeze %dma_start3A_47 : memref<128x1xf32, #tpu.memory_space<vmem>> -> memref<128xf32, #tpu.memory_space<vmem>>
      %dma_start3A_49 = arith.constant 0 : i32
      %dma_start3A_50 = tpu.memref_slice %arg10[%arg1, %dma_start3A_49] : memref<16x128xf32, #tpu.memory_space<vmem_shared>> -> memref<1x128xf32, #tpu.memory_space<vmem_shared>>
      %dma_start3A_51 = tpu.memref_squeeze %dma_start3A_50 : memref<1x128xf32, #tpu.memory_space<vmem_shared>> -> memref<128xf32, #tpu.memory_space<vmem_shared>>
      %dma_start3A_52 = arith.constant 0 : i32
      %dma_start3A_53 = tpu.memref_slice %arg10[%arg1, %dma_start3A_52] : memref<16x128xf32, #tpu.memory_space<vmem_shared>> -> memref<1x128xf32, #tpu.memory_space<vmem_shared>>
      %dma_start3A_54 = tpu.memref_squeeze %dma_start3A_53 : memref<1x128xf32, #tpu.memory_space<vmem_shared>> -> memref<128xf32, #tpu.memory_space<vmem_shared>>
      %dma_start3A_55 = arith.constant 0 : i32
      %dma_start3A_56 = tpu.memref_slice %arg9[%dma_start3A_55, %run_scoped3A] : memref<128x16xf32, #tpu.memory_space<vmem>> -> memref<128x1xf32, #tpu.memory_space<vmem>>
      %dma_start3A_57 = tpu.memref_squeeze %dma_start3A_56 : memref<128x1xf32, #tpu.memory_space<vmem>> -> memref<128xf32, #tpu.memory_space<vmem>>
      tpu.enqueue_dma source(%dma_start3A_57 : memref<128xf32, #tpu.memory_space<vmem>>) target(%dma_start3A_54 : memref<128xf32, #tpu.memory_space<vmem_shared>>) target_semaphore(%run_scoped3A_45 : memref<!tpu.dma_semaphore, #tpu.memory_space<semaphore_mem>>)
      %dma_wait3A = arith.constant 0 : i32
      %dma_wait3A_58 = tpu.memref_slice %arg9[%dma_wait3A, %run_scoped3A] : memref<128x16xf32, #tpu.memory_space<vmem>> -> memref<128x1xf32, #tpu.memory_space<vmem>>
      %dma_wait3A_59 = tpu.memref_squeeze %dma_wait3A_58 : memref<128x1xf32, #tpu.memory_space<vmem>> -> memref<128xf32, #tpu.memory_space<vmem>>
      %dma_wait3A_60 = arith.constant 0 : i32
      %dma_wait3A_61 = tpu.memref_slice %arg10[%arg1, %dma_wait3A_60] : memref<16x128xf32, #tpu.memory_space<vmem_shared>> -> memref<1x128xf32, #tpu.memory_space<vmem_shared>>
      %dma_wait3A_62 = tpu.memref_squeeze %dma_wait3A_61 : memref<1x128xf32, #tpu.memory_space<vmem_shared>> -> memref<128xf32, #tpu.memory_space<vmem_shared>>
      %dma_wait3A_63 = arith.constant 0 : i32
      %dma_wait3A_64 = tpu.memref_slice %arg10[%arg1, %dma_wait3A_63] : memref<16x128xf32, #tpu.memory_space<vmem_shared>> -> memref<1x128xf32, #tpu.memory_space<vmem_shared>>
      %dma_wait3A_65 = tpu.memref_squeeze %dma_wait3A_64 : memref<1x128xf32, #tpu.memory_space<vmem_shared>> -> memref<128xf32, #tpu.memory_space<vmem_shared>>
      %dma_wait3A_66 = arith.constant 0 : i32
      %dma_wait3A_67 = tpu.memref_slice %arg9[%dma_wait3A_66, %run_scoped3A] : memref<128x16xf32, #tpu.memory_space<vmem>> -> memref<128x1xf32, #tpu.memory_space<vmem>>
      %dma_wait3A_68 = tpu.memref_squeeze %dma_wait3A_67 : memref<128x1xf32, #tpu.memory_space<vmem>> -> memref<128xf32, #tpu.memory_space<vmem>>
      tpu.wait_dma2 semaphore(%run_scoped3A_45 : memref<!tpu.dma_semaphore, #tpu.memory_space<semaphore_mem>>) src(%dma_wait3A_68 : memref<128xf32, #tpu.memory_space<vmem>>) dst(%dma_wait3A_65 : memref<128xf32, #tpu.memory_space<vmem_shared>>)
      tpu.yield
    }) : () -> ()
    %mul3A_43 = arith.constant 128 : i32
    %mul3A_44 = arith.muli %add3A, %mul3A_43 : i32
    "tpu.region"() ({
      %run_scoped3A_45 = tpu.sem_alloc : memref<!tpu.dma_semaphore, #tpu.memory_space<semaphore_mem>>
      %dma_start3A_46 = tpu.memref_slice %arg4[%mul3A_44] : memref<2048xf32, #tpu.memory_space<hbm>> -> memref<128xf32, #tpu.memory_space<hbm>>
      %dma_start3A_47 = arith.constant 0 : i32
      %dma_start3A_48 = tpu.memref_slice %arg10[%arg1, %dma_start3A_47] : memref<16x128xf32, #tpu.memory_space<vmem_shared>> -> memref<1x128xf32, #tpu.memory_space<vmem_shared>>
      %dma_start3A_49 = tpu.memref_squeeze %dma_start3A_48 : memref<1x128xf32, #tpu.memory_space<vmem_shared>> -> memref<128xf32, #tpu.memory_space<vmem_shared>>
      tpu.enqueue_dma source(%dma_start3A_49 : memref<128xf32, #tpu.memory_space<vmem_shared>>) target(%dma_start3A_46 : memref<128xf32, #tpu.memory_space<hbm>>) target_semaphore(%run_scoped3A_45 : memref<!tpu.dma_semaphore, #tpu.memory_space<semaphore_mem>>)
      %dma_wait3A = tpu.memref_slice %arg4[%mul3A_44] : memref<2048xf32, #tpu.memory_space<hbm>> -> memref<128xf32, #tpu.memory_space<hbm>>
      %dma_wait3A_50 = arith.constant 0 : i32
      %dma_wait3A_51 = tpu.memref_slice %arg10[%arg1, %dma_wait3A_50] : memref<16x128xf32, #tpu.memory_space<vmem_shared>> -> memref<1x128xf32, #tpu.memory_space<vmem_shared>>
      %dma_wait3A_52 = tpu.memref_squeeze %dma_wait3A_51 : memref<1x128xf32, #tpu.memory_space<vmem_shared>> -> memref<128xf32, #tpu.memory_space<vmem_shared>>
      tpu.wait_dma2 semaphore(%run_scoped3A_45 : memref<!tpu.dma_semaphore, #tpu.memory_space<semaphore_mem>>) src(%dma_wait3A_52 : memref<128xf32, #tpu.memory_space<vmem_shared>>) dst(%dma_wait3A : memref<128xf32, #tpu.memory_space<hbm>>)
      tpu.yield
    }) : () -> ()
    return
  }
}

module attributes {stable_mosaic.version = 14 : i64} {
  func.func @_tc_mv_body(%arg0: i32, %arg1: memref<512x4096xf32, #tpu.memory_space<vmem>>, %arg2: memref<4096xf32, #tpu.memory_space<vmem>>, %arg3: memref<512xf32, #tpu.memory_space<vmem>>) attributes {dimension_semantics = [#tpu.dimension_semantics<arbitrary>], iteration_bounds = array<i64: 28>, scalar_prefetch = 0 : i64, scratch_operands = 0 : i64, tpu.core_type = #tpu.core_type<tc>, window_params = [{transform_indices = @transform_0, window_bounds = array<i64: 512, 4096>}, {pipeline_mode = #tpu.pipeline_mode<synchronous>, transform_indices = @transform_1, window_bounds = array<i64: 4096>}, {transform_indices = @transform_2, window_bounds = array<i64: 512>}]} {
    %get3A = arith.constant 0 : index
    %get3A_0 = arith.constant 0 : index
    %get3A_1 = vector.load %arg1[%get3A, %get3A_0] : memref<512x4096xf32, #tpu.memory_space<vmem>>, vector<512x4096xf32>
    %get3A_2 = arith.constant 0 : index
    %get3A_3 = vector.load %arg2[%get3A_2] : memref<4096xf32, #tpu.memory_space<vmem>>, vector<4096xf32>
    %dot_general3A = arith.constant dense<0.000000e+00> : vector<512xf32>
    %dot_general3A_4 = tpu.matmul %get3A_1, %get3A_3, %dot_general3A {dimension_numbers = #tpu.dot_dimension_numbers<[1], [0], [0], [], [0, 0], [], []>, transpose_lhs_hint = false} : vector<512x4096xf32>, vector<4096xf32>, vector<512xf32> -> vector<512xf32>
    %swap3A = arith.constant 0 : index
    %swap3A_5 = vector.load %arg3[%swap3A] : memref<512xf32, #tpu.memory_space<vmem>>, vector<512xf32>
    tpu.vector_store %arg3[%swap3A], %dot_general3A_4 {strides = array<i32>} : memref<512xf32, #tpu.memory_space<vmem>>, vector<512xf32>,
    return
  }
  func.func @transform_0(%arg0: i32) -> (i32, i32) {
    %c0_i32 = arith.constant 0 : i32
    %c0_i32_0 = arith.constant 0 : i32
    return %arg0, %c0_i32 : i32, i32
  }
  func.func @transform_1(%arg0: i32) -> i32 {
    %c0_i32 = arith.constant 0 : i32
    %c0_i32_0 = arith.constant 0 : i32
    return %c0_i32 : i32
  }
  func.func @transform_2(%arg0: i32) -> i32 {
    %c0_i32 = arith.constant 0 : i32
    return %arg0 : i32
  }
}

</mosaic_0001>

<sc_bundles>
// kernel: kernel.4.cloned.1.call-start
scs
__scs_entry_jumppad:
0x0: {  	(pc) =	sbr.rel $0x88, $3  }
0x1: {  	(tag) =	ssettag $0x0;
	lr =	simm.s32 $0x1  }
0x2: {  	[smem:$0x3F9F] =	sst lr;
	_ =	strace $0xD0000000  }
0x3: {  	_ = 	snop  }
0x4: {  	_ = 	snop  }
0x5: {  	_ = 	snop  }
0x6: {  	_ = 	snop  }
0x7: {  	_ = 	snop  }
__scs_overlays_trampoline_lowered:
0x8: {  	[smem:$0x3FAE] =	sst s0  }
0x9: {  	[smem:$0x3FAF] =	sst s1  }
0xa: {  	[smem:$0x3FB0] =	sst s2  }
0xb: {  	[smem:$0x3FB1] =	sst s3  }
0xc: {  	[smem:$0x3FB2] =	sst s4  }
0xd: {  	[smem:$0x3FB3] =	sst s5  }
0xe: {  	[smem:$0x3FB4] =	sst s6  }
0xf: {  	[smem:$0x3FB5] =	sst s7  }
0x10: {  	[smem:$0x3FB6] =	sst s8  }
0x11: {  	[smem:$0x3FB7] =	sst s9;
	s0 =	simm.s32 @!p0 $0x0  }
0x12: {  	s1 =	sld [smem:$0x3F9D];
	s0 =	simm.s32 @p0 $0x1  }
0x13: {  	[smem:$0x3FB8] =	sst s0;
	s0 =	simm.s32 @!p1 $0x0  }
0x14: {  	s2 =	sld [smem:$0x3F9C];
	s0 =	simm.s32 @p1 $0x1  }
0x15: {  	[smem:$0x3FB9] =	sst s0;
	s0 =	simm.s32 @!p2 $0x0  }
0x16: {  	s3 =	sld [smem:$0x3FDB];
	s0 =	simm.s32 @p2 $0x1  }
0x17: {  	s4 =	simm.s32 $0x1BF5;
	[smem:$0x3FBB] =	sst s0  }
0x18: {  	s0 =	sld [smem:$0x3F9E];
	_ =	swait.ge [sflag:s4], $0x0  }
0x19: {  	s7 =	sld [smem:$0x3F9F]  }
0x1a: {  	s8 =	sadd.s32 $0xFFFFE003, lr  }
0x1b: {  	s9 =	sadd.s32 $0xFFFFFEF7, lr;
	s5 =	simm.s32 $0xFFFFFFFF;
	p2 =	slt.u32 s8, $0xFFFFF086  }
0x1c: {  	p1 =	slt.u32 s9, $0xF7A;
	s5 =	simm.s32 @!p2 $0x0  }
0x1d: {  	s5 =	simm.s32 @p1 $0x1;
	p0 =	seq.s32 s7, s2  }
0x1e: {  	s7 =	smul.u32 @!p0 $0xF7A, s2;
	p2 =	seq.s32 @!p0 s5, $0x0  }
0x1f: {  	s9 =	smul.u32 $0xF7A, s1;
	s8 =	simm.s32 @!p0 $0x1BF5;
	p2 =	por !p2, p0  }
0x20: {  	[sflag:s8] =	ssyncset.s32 @!p0 $0xFFFFF086;
	s6 =	sadd.s32 @!p0 s3, s7;
	s7 =	simm.s32 @!p0 $0x108  }
0x21: {  	s3 =	sadd.s32 s3, s9;
	s6 =	sadd.s32 @!p0 $0x88, s6;
	s7 =	simm.s32 @p2 $0x1082  }
0x22: {  	[simem:s7], [sflag:s8] =	dma.local @!p0 [hbm:s6], $0xF7A  }
0x23: {  	s9 =	sor.u32 $0xD0000000, s2;
	s6 =	simm.s32 $0x108;
	_ =	swait.ge @!p0 [sflag:s8], $0x0  }
0x24: {  	s3 =	sadd.s32 $0x88, s3;
	s6 =	simm.s32 @!p1 $0x1082;
	[sflag:s4] =	ssyncset.s32 $0xFFFFF086  }
0x25: {  	[simem:s6], [sflag:s4] =	dma.local [hbm:s3], $0xF7A  }
0x26: {  	[smem:$0x3F9F] =	sst s1;
	(tag) =	ssettag s2;
	_ =	strace s9  }
0x27: {  	s1 =	sld [smem:$0x3FAF]  }
0x28: {  	s2 =	sld [smem:$0x3FB0]  }
0x29: {  	s4 =	sld [smem:$0x3FB2]  }
0x2a: {  	p0 =	seq.s32 s5, $0x0;
	s5 =	sld [smem:$0x3FB3]  }
0x2b: {  	s6 =	sld [smem:$0x3FB4]  }
0x2c: {  	s7 =	sld [smem:$0x3FB5]  }
0x2d: {  	s3 =	simm.s32 $0x108;
	s8 =	sld [smem:$0x3FB6]  }
0x2e: {  	s3 =	simm.s32 @!p0 $0x1082;
	s9 =	sld [smem:$0x3FB7]  }
0x2f: {  	lr =	sadd.s32 s0, s3;
	s0 =	sld [smem:$0x3FAE]  }
0x30: {  	s3 =	sld [smem:$0x3FB1]  }
0x31: {  	[smem:$0x3FBA] =	sst s10  }
0x32: {  	s10 =	sld [smem:$0x3FB8];
	_ =	sdelay $0x3  }
0x33: {  	p0 =	seq.s32 s10, $0x1;
	s10 =	sld [smem:$0x3FBA];
	_ =	sdelay $0x3  }
0x34: {  	[smem:$0x3FBA] =	sst s10  }
0x35: {  	s10 =	sld [smem:$0x3FB9];
	_ =	sdelay $0x3  }
0x36: {  	p1 =	seq.s32 s10, $0x1;
	s10 =	sld [smem:$0x3FBA];
	_ =	sdelay $0x3  }
0x37: {  	[smem:$0x3FBA] =	sst s10  }
0x38: {  	s10 =	sld [smem:$0x3FBB]  }
0x39: {  	_ = 	snop;
	(pc) =	sbr.ind lr, $3  }
0x3a: {  	_ = 	snop  }
0x3b: {  	_ = 	snop  }
0x3c: {  	p2 =	seq.s32 s10, $0x1;
	s10 =	sld [smem:$0x3FBA]  }
0x3d: {  	_ =	shalt  }
0x3e: {  	_ =	shalt  }
0x3f: {  	_ =	shalt  }
0x40: {  	_ =	shalt  }
0x41: {  	_ =	shalt  }
0x42: {  	_ =	shalt  }
0x43: {  	_ =	shalt  }
0x44: {  	_ =	shalt  }
0x45: {  	_ =	shalt  }
0x46: {  	_ =	shalt  }
0x47: {  	_ =	shalt  }
0x48: {  	_ =	shalt  }
0x49: {  	_ =	shalt  }
0x4a: {  	_ =	shalt  }
0x4b: {  	_ =	shalt  }
0x4c: {  	_ =	shalt  }
0x4d: {  	_ =	shalt  }
0x4e: {  	_ =	shalt  }
0x4f: {  	_ =	shalt  }
0x50: {  	_ =	shalt  }
0x51: {  	_ =	shalt  }
0x52: {  	_ =	shalt  }
0x53: {  	_ =	shalt  }
0x54: {  	_ =	shalt  }
0x55: {  	_ =	shalt  }
0x56: {  	_ =	shalt  }
0x57: {  	_ =	shalt  }
0x58: {  	_ =	shalt  }
0x59: {  	_ =	shalt  }
0x5a: {  	_ =	shalt  }
0x5b: {  	_ =	shalt  }
0x5c: {  	_ =	shalt  }
0x5d: {  	_ =	shalt  }
0x5e: {  	_ =	shalt  }
0x5f: {  	_ =	shalt  }
0x60: {  	_ =	shalt  }
0x61: {  	_ =	shalt  }
0x62: {  	_ =	shalt  }
0x63: {  	_ =	shalt  }
0x64: {  	_ =	shalt  }
0x65: {  	_ =	shalt  }
0x66: {  	_ =	shalt  }
0x67: {  	_ =	shalt  }
0x68: {  	_ =	shalt  }
0x69: {  	_ =	shalt  }
0x6a: {  	_ =	shalt  }
0x6b: {  	_ =	shalt  }
0x6c: {  	_ =	shalt  }
0x6d: {  	_ =	shalt  }
0x6e: {  	_ =	shalt  }
0x6f: {  	_ =	shalt  }
0x70: {  	_ =	shalt  }
0x71: {  	_ =	shalt  }
0x72: {  	_ =	shalt  }
0x73: {  	_ =	shalt  }
0x74: {  	_ =	shalt  }
0x75: {  	_ =	shalt  }
0x76: {  	_ =	shalt  }
0x77: {  	_ =	shalt  }
0x78: {  	_ =	shalt  }
0x79: {  	_ =	shalt  }
0x7a: {  	_ =	shalt  }
0x7b: {  	_ =	shalt  }
0x7c: {  	_ =	shalt  }
0x7d: {  	_ =	shalt  }
0x7e: {  	_ =	shalt  }
0x7f: {  	_ =	shalt  }
0x80: {  	_ =	shalt  }
0x81: {  	_ =	shalt  }
0x82: {  	_ =	shalt  }
0x83: {  	_ =	shalt  }
0x84: {  	_ =	shalt  }
0x85: {  	_ =	shalt  }
0x86: {  	_ =	shalt  }
0x87: {  	_ =	shalt  }
.Lfunc_end0:
.L_simem_size_0:
called_computation_lowered:
.L_overlay_start_0:
0x88: {  	s0 =	sld [smem:$0x3FD9]  }
0x89: {  	s1 =	sld [smem:$0x3FFE];
	_ =	sdelay $0x3  }
0x8a: {  	s0 =	sadd.s32 s1, s0  }
0x8b: {  	[smem:$0x3FC6] =	sst s0  }
0x8c: {  	_ = 	snop  }
0x8d: {  	s0 =	sld [smem:$0x3FC9]  }
0x8e: {  	s16 =	sld [smem:$0x3FC8];
	(tm) =	ssettm $0x1  }
0x8f: {  	s2 =	sld [smem:$0x3FFB];
	_ =	sdelay $0x3  }
0x90: {  	_ =	strace s2  }
0x91: {  	s2 =	sld [smem:$0x3FFC];
	_ =	sdelay $0x3  }
0x92: {  	_ =	strace s2  }
0x93: {  	s2 =	sld [smem:$0x3FFD];
	_ =	sdelay $0x3  }
0x94: {  	_ =	strace s2  }
0x95: {  	_ =	strace $0x8FFFFFFF  }
0x96: {  	s17 =	sld [smem:$0x3FDB];
	_ =	sdelay $0x1  }
0x97: {  	s3 =	simm.s32 $_scs_section_size  }
0x98: {  	s4 =	simm.s32 $_size__tile_overlayer_lowered;
	s5 =	simm.s32 $_tile_overlayer_lowered  }
0x99: {  	s20 =	simm.s32 $0x1BFF;
	s19 =	sshll.u32 s5, $0x1;
	s2 =	sadd.s32 s3, s17  }
0x9a: {  	s6 =	simm.s32 $0x0;
	s18 =	sshll.u32 s4, $0x1;
	s4 =	sadd.s32 s19, s2  }
0x9b: {  	[timem:s6], [sflag:s20] =	dma.local [hbm:s4], s18  }
0x9c: {  	_ =	swait.ge [sflag:s20], s18  }
0x9d: {  	s3 =	ssub.s32 $0x0, s18;
	[sflag:s20] =	ssyncset.done $0x0  }
0x9e: {  	[sflag:s20] =	ssyncadd.s32 s3;
	_ =	sdelay $0x1  }
0x9f: {  	s21 =	simm.s32 $0x1B8B  }
0xa0: {  	_ =	swait.ge [sflag:s21], $0x1  }
0xa1: {  	[sflag:s21] =	ssyncset.done $0x0  }
0xa2: {  	s23 =	simm.s32 $0x1B8E;
	s22 =	sld [smem:$0x3FFE];
	[sflag:s21] =	ssyncadd.s32 $0xFFFFFFFF  }
0xa3: {  	s24 =	simm.s32 $execute0_lowered;
	[smem:$0x3FD2] =	sst s23  }
0xa4: {  	s4 =	sshll.u32 s24, $0x1;
	_ =	strace $0x80000046;
	[dreg:$0x1] =	wrdreg $0xFFFFFFFF  }
0xa5: {  	s25 =	simm.s32 $_size_execute0_lowered;
	s2 =	sadd.s32 s2, s4;
	[dreg:$0x0] =	wrdreg $0x0  }
0xa6: {  	s4 =	sshll.u32 s25, $0x1;
	[dreg:$0x2] =	wrdreg s2  }
0xa7: {  	[dreg:$0x3] =	wrdreg s4  }
0xa8: {  	[dreg:$0x4] =	wrdreg $0xC0  }
0xa9: {  	_ =	task [dreg:s6], $0x5FFFF  }
0xaa: {  	[dreg:$0x1] =	wrdreg $0xFFFFFFFF  }
0xab: {  	[dreg:$0x0] =	wrdreg $0x60  }
0xac: {  	[dreg:$0x2] =	wrdreg s0  }
0xad: {  	[dreg:$0x3] =	wrdreg s16  }
0xae: {  	[dreg:$0x4] =	wrdreg s22  }
0xaf: {  	[dreg:$0x5] =	wrdreg $0x158800  }
0xb0: {  	[dreg:$0x6] =	wrdreg $0x9  }
0xb1: {  	_ =	task.clear_ibuf [dreg:s6], $0x7FFFF;
	_ =	strace $0x90000046  }
0xb2: {  	s26 =	simm.s32 $0x9;
	_ =	strace $0x80000048  }
0xb3: {  	_ =	swait.ge [sflag:s26], $0x1  }
0xb4: {  	[sflag:s26] =	ssyncadd.s32 $0xFFFFFFFF  }
0xb5: {  	_ =	strace $0x90000048  }
0xb6: {  	_ =	sfence  }
0xb7: {  	s28 =	sld [smem:$0x0];
	_ =	sdelay $0x1  }
0xb8: {  	s29 =	srdreg.scid  }
0xb9: {  	s30 =	sshll.u32 s29, $0xD;
	s31 =	sshrl.u32 s29, $0x2  }
0xba: {  	s1 =	sand.u32 $0x1, s29;
	s2 =	sand.u32 $0x4000, s30;
	s0 =	sadd.s32 s31, s28  }
0xbb: {  	s1 =	sor.u32 s2, s1;
	s0 =	sshll.u32 s0, $0x11  }
0xbc: {  	s0 =	sor.u32 s0, s1  }
0xbd: {  	s0 =	sadd.s32 $0x8F2B, s0  }
0xbe: {  	[sflag:s0] =	ssyncadd.remote.s32 $0x1  }
0xbf: {  	_ =	sfence.sel $0xFFFF  }
0xc0: {  	[dreg:$0x0] =	wrdreg $0xFFFFFFFF;
	(pc) =	sbr.abs _section_cstart, $3  }
0xc1: {  	[dreg:$0x1] =	wrdreg $0xFFFFFFFF  }
0xc2: {  	_ =	task.clear_ibuf [dreg:s6], $0x2FFFF;
	_ =	strace $0x9FFFFFFF  }
0xc3: {  	(tm) =	ssettm $0x7FFFFFFF  }
tec
execute0_lowered:
.L_overlay_start_1:
0x0: {  	(tag) =	ssettag $0x1  }
0x1: {  	s5 =	rddreg [dreg:$0x0]  }
0x2: {  	s3 =	rddreg [dreg:$0x1]  }
0x3: {  	s8 =	rddreg [dreg:$0x2]  }
0x4: {  	s2 =	rddreg [dreg:$0x3]  }
0x5: {  	s0 =	rddreg [dreg:$0x4]  }
0x6: {  	s6 =	simm.s32 $0x0;
	s1 =	stileid.u32;
	s7 =	simm.s32 $0x3  }
0x7: {  	s29 =	simm.s32 $0x1000;
	s11 =	simm.s32 $0x2;
	s12 =	simm.s32 $0x0  }
0x8: {  	[smem:$0x7FF] =	sst s6;
	s4 =	sshll.u32 s1, $0x7;
	s10 =	sshll.u32 s1, $0x10  }
0x9: {  	_ =	strace $0x80000047;
	s28 =	sor.u32 $0x3800, s4;
	s10 =	sadd.s32 s10, s5  }
0xa: {  	[tilespmem:s6], [sflag:$0x3] =	stream.linear.gather [hbm4b:s3+s6], $0x1000, $0x38;
	[tilespmem:$0x15900] =	vst v63  }
0xb: {  	s9 =	sshll.u32 s28, $0x9;
	s30 =	sadd.s32 $0x701000, s10;
	_ =	swait.ge [sflag:s7], $0x1000  }
0xc: {  	s31 =	sshrl.u32 s28, $0x3;
	s3 =	sadd.s32 $0x600, s8;
	[sflag:s7] =	ssyncset.done $0x0  }
0xd: {  	s10 =	simm.s32 $0x1;
	s9 =	sadd.s32 s5, s9;
	[sflag:s7] =	ssyncadd.s32 $0xFFFFF000  }
0xe: {  	[tilespmem:s29], [sflag:$0x1] =	stream.linear.gather [hbm4b:s9+s6], $0x8000, $0x38;
	[tilespmem:$0x15900] =	vst v63  }
0xf: {  	s8 =	sor.u32 $0x2, s31;
	s7 =	simm.s32 $0x9000;
	s9 =	sor.u32 $0x3, s31  }
0x10: {  	[tilespmem:s7], [sflag:$0x2] =	stream.linear.gather [hbm4b:s30+s6], $0x8000, $0x38;
	[tilespmem:$0x15900] =	vst v63  }
.LBB2_1:
0x11: {  	_ =	swait.ge [sflag:s10], $0x8000  }
0x12: {  	[sflag:s10] =	ssyncset.done $0x0  }
0x13: {  	s14 =	simm.s32 $0x40;
	[sflag:s10] =	ssyncadd.s32 $0xFFFF8000  }
0x14: {  	s13 =	simm.s32 $0x1200;
	v0 =	vld [tilespmem:s14+$0x30]  }
0x15: {  	v3 =	vld [tilespmem:s13+$0xFFFFFE70]  }
0x16: {  	v4 =	vld [tilespmem:s13+$0xFFFFFEF0]  }
0x17: {  	v5 =	vld [tilespmem:s13+$0xFFFFFF70]  }
0x18: {  	v6 =	vld [tilespmem:s13+$0xFFFFFFF0]  }
0x19: {  	v7 =	vld [tilespmem:s13+$0x70]  }
0x1a: {  	v8 =	vld [tilespmem:s13+$0xF0]  }
0x1b: {  	v1 =	vld [tilespmem:s14+$0x20]  }
0x1c: {  	v9 =	vld [tilespmem:s13+$0xFFFFFE60]  }
0x1d: {  	v10 =	vld [tilespmem:s13+$0xFFFFFEE0]  }
0x1e: {  	v11 =	vld [tilespmem:s13+$0xFFFFFF60]  }
0x1f: {  	v12 =	vld [tilespmem:s13+$0xFFFFFFE0]  }
0x20: {  	v15 =	vld [tilespmem:s13+$0x60]  }
0x21: {  	v16 =	vld [tilespmem:s13+$0xE0]  }
0x22: {  	v2 =	vld [tilespmem:s14+$0x10]  }
0x23: {  	v17 =	vld [tilespmem:s13+$0xFFFFFE50]  }
0x24: {  	v18 =	vld [tilespmem:s13+$0xFFFFFED0]  }
0x25: {  	v19 =	vld [tilespmem:s13+$0xFFFFFF50]  }
0x26: {  	v20 =	vld [tilespmem:s13+$0xFFFFFFD0]  }
0x27: {  	v21 =	vld [tilespmem:s13+$0x50]  }
0x28: {  	v22 =	vld [tilespmem:s13+$0xD0]  }
0x29: {  	v13 =	vld [tilespmem:s14+$0x0]  }
0x2a: {  	v23 =	vld [tilespmem:s13+$0xFFFFFE40]  }
0x2b: {  	v24 =	vld [tilespmem:s13+$0xFFFFFEC0]  }
0x2c: {  	v25 =	vld [tilespmem:s13+$0xFFFFFF40]  }
0x2d: {  	v26 =	vld [tilespmem:s13+$0xFFFFFFC0]  }
0x2e: {  	v27 =	vld [tilespmem:s13+$0x40]  }
0x2f: {  	v28 =	vld [tilespmem:s13+$0xC0]  }
0x30: {  	v14 =	vld [tilespmem:s14+$0xFFFFFFF0]  }
0x31: {  	v29 =	vld [tilespmem:s13+$0xFFFFFE30]  }
0x32: {  	v30 =	vld [tilespmem:s13+$0xFFFFFEB0];
	v31 =	vmul.f32 v3, v0;
	v32 =	vmul.f32 v4, v0  }
0x33: {  	v33 =	vld [tilespmem:s14+$0xFFFFFFE0];
	v34 =	vmul.f32 v5, v0;
	v35 =	vmul.f32 v6, v0  }
0x34: {  	v36 =	vld [tilespmem:s13+$0xFFFFFE20];
	v4 =	vmul.f32 v7, v0;
	v3 =	vmul.f32 v8, v0  }
0x35: {  	v37 =	vld [tilespmem:s13+$0xFFFFFEA0];
	v9 =	vmul.f32 v9, v1;
	v10 =	vmul.f32 v10, v1  }
0x36: {  	v38 =	vld [tilespmem:s14+$0xFFFFFFD0];
	v11 =	vmul.f32 v11, v1;
	v12 =	vmul.f32 v12, v1  }
0x37: {  	v39 =	vld [tilespmem:s13+$0xFFFFFE10];
	v6 =	vmul.f32 v15, v1;
	v5 =	vmul.f32 v16, v1  }
0x38: {  	v40 =	vld [tilespmem:s13+$0xFFFFFE00];
	v16 =	vmul.f32 v17, v2;
	v17 =	vmul.f32 v18, v2  }
0x39: {  	v41 =	vld [tilespmem:s13+$0xFFFFFF80];
	v19 =	vmul.f32 v19, v2;
	v20 =	vmul.f32 v20, v2  }
0x3a: {  	v42 =	vld [tilespmem:s13+$0xFFFFFF10];
	v8 =	vmul.f32 v21, v2;
	v7 =	vmul.f32 v22, v2  }
0x3b: {  	v18 =	vld [tilespmem:s14+$0xFFFFFFC0];
	v22 =	vmul.f32 v23, v13;
	v23 =	vmul.f32 v24, v13  }
0x3c: {  	v21 =	vld [tilespmem:s13+$0xFFFFFE80];
	v25 =	vmul.f32 v25, v13;
	v26 =	vmul.f32 v26, v13  }
0x3d: {  	v24 =	vld [tilespmem:s13+$0xFFFFFF00];
	v27 =	vmul.f32 v27, v13;
	v28 =	vmul.f32 v28, v13  }
0x3e: {  	v15 =	vld [tilespmem:s13+$0xFFFFFE90];
	v29 =	vmul.f32 v29, v14;
	v30 =	vmul.f32 v30, v14  }
0x3f: {  	v43 =	vld [tilespmem:s13+$0xFFFFFF90];
	v36 =	vmul.f32 v36, v33;
	v37 =	vmul.f32 v37, v33  }
0x40: {  	v45 =	vld [tilespmem:s13+$0xFFFFFFA0];
	v39 =	vmul.f32 v39, v38;
	v42 =	vmul.f32 v42, v38  }
0x41: {  	v44 =	vld [tilespmem:s13+$0xFFFFFF20];
	v40 =	vmul.f32 v40, v18;
	v21 =	vmul.f32 v21, v18  }
0x42: {  	v46 =	vimm.f32 $0.0e+00;
	v47 =	vld [tilespmem:s13+$0xFFFFFF30];
	v24 =	vmul.f32 v24, v18;
	v41 =	vmul.f32 v41, v18  }
0x43: {  	v48 =	vld [tilespmem:s13+$0xFFFFFFB0];
	v15 =	vmul.f32 v15, v38;
	v40 =	vadd.f32 v40, v46;
	v21 =	vadd.f32 v21, v46  }
0x44: {  	v49 =	vld [tilespmem:s13+$0x30];
	v43 =	vmul.f32 v43, v38;
	v24 =	vadd.f32 v24, v46;
	v41 =	vadd.f32 v41, v46  }
0x45: {  	v63 =	vld [tilespmem:s13+$0xB0];
	v50 =	vmul.f32 v45, v33;
	v39 =	vadd.f32 v39, v40;
	v15 =	vadd.f32 v15, v21  }
0x46: {  	v51 =	vld [tilespmem:s13+$0x20];
	v21 =	vmul.f32 v44, v33;
	v24 =	vadd.f32 v42, v24;
	v41 =	vadd.f32 v43, v41  }
0x47: {  	v52 =	vld [tilespmem:s13+$0xA0];
	v53 =	vmul.f32 v47, v14;
	v36 =	vadd.f32 v36, v39;
	v15 =	vadd.f32 v37, v15  }
0x48: {  	v54 =	vld [tilespmem:s13+$0x10];
	v55 =	vmul.f32 v48, v14;
	v21 =	vadd.f32 v21, v24;
	v24 =	vadd.f32 v50, v41  }
0x49: {  	v56 =	vld [tilespmem:s13+$0x90];
	v57 =	vmul.f32 v49, v14;
	v29 =	vadd.f32 v29, v36;
	v15 =	vadd.f32 v30, v15  }
0x4a: {  	v58 =	vld [tilespmem:s13+$0x0];
	v59 =	vmul.f32 v63, v14;
	v21 =	vadd.f32 v53, v21;
	v24 =	vadd.f32 v55, v24  }
0x4b: {  	v60 =	vld [tilespmem:s13+$0x80];
	v61 =	vmul.f32 v51, v33;
	v22 =	vadd.f32 v22, v29;
	v15 =	vadd.f32 v23, v15  }
0x4c: {  	v62 =	vmul.f32 v52, v33;
	v23 =	vld [tilespmem:s13+$0x100];
	v21 =	vadd.f32 v25, v21;
	v24 =	vadd.f32 v26, v24  }
0x4d: {  	v25 =	vld [tilespmem:s13+$0x180];
	v26 =	vmul.f32 v54, v38;
	v16 =	vadd.f32 v16, v22;
	v15 =	vadd.f32 v17, v15  }
0x4e: {  	v17 =	vmul.f32 v56, v38;
	v22 =	vld [tilespmem:s13+$0x110];
	v19 =	vadd.f32 v19, v21;
	v20 =	vadd.f32 v20, v24  }
0x4f: {  	v21 =	vmul.f32 v58, v18;
	v24 =	vld [tilespmem:s13+$0x190];
	v9 =	vadd.f32 v9, v16;
	v10 =	vadd.f32 v10, v15  }
0x50: {  	v15 =	vmul.f32 v60, v18;
	v16 =	vld [tilespmem:s13+$0x120];
	v19 =	vadd.f32 v11, v19;
	v20 =	vadd.f32 v12, v20  }
0x51: {  	v63 =	vld [tilespmem:s13+$0x1A0];
	v23 =	vmul.f32 v23, v18;
	v12 =	vadd.f32 v31, v9;
	v11 =	vadd.f32 v32, v10  }
0x52: {  	v18 =	vmul.f32 v25, v18;
	v25 =	vld [tilespmem:s13+$0x130];
	v10 =	vadd.f32 v34, v19;
	v9 =	vadd.f32 v35, v20  }
0x53: {  	v19 =	vadd.f32 v21, v46;
	v15 =	vadd.f32 v15, v46;
	v21 =	vld [tilespmem:s13+$0x1B0];
	v20 =	vmul.f32 v22, v38  }
0x54: {  	v22 =	vadd.f32 v23, v46;
	v18 =	vadd.f32 v18, v46;
	v23 =	vmul.f32 v24, v38;
	v24 =	vld [tilespmem:s13+$0x140]  }
0x55: {  	v19 =	vadd.f32 v26, v19;
	v15 =	vadd.f32 v17, v15;
	v17 =	vld [tilespmem:s13+$0x1C0];
	v16 =	vmul.f32 v16, v33  }
0x56: {  	v26 =	vld [tilespmem:s13+$0x150];
	v20 =	vadd.f32 v20, v22;
	v18 =	vadd.f32 v23, v18;
	v22 =	vmul.f32 v63, v33  }
0x57: {  	v19 =	vadd.f32 v61, v19;
	v23 =	vadd.f32 v62, v15;
	v25 =	vmul.f32 v25, v14;
	v15 =	vld [tilespmem:s13+$0x1D0]  }
0x58: {  	v20 =	vadd.f32 v16, v20;
	v22 =	vadd.f32 v22, v18;
	v21 =	vmul.f32 v21, v14;
	v16 =	vld [tilespmem:s13+$0x160]  }
0x59: {  	v14 =	vld [tilespmem:s13+$0x1E0];
	v19 =	vadd.f32 v57, v19;
	v29 =	vadd.f32 v59, v23;
	v18 =	vmul.f32 v24, v13  }
0x5a: {  	v23 =	vadd.f32 v25, v20;
	v22 =	vadd.f32 v21, v22;
	v24 =	vmul.f32 v17, v13;
	v13 =	vld [tilespmem:s13+$0x170]  }
0x5b: {  	s15 =	simm.s32 $0xC0;
	s14 =	simm.s32 $0x0;
	v17 =	vld [tilespmem:s13+$0x1F0];
	v25 =	vadd.f32 v27, v19;
	v20 =	vadd.f32 v28, v29;
	v19 =	vmul.f32 v26, v2  }
.LBB2_2:
0x5c: {  	v21 =	vld [tilespmem:s15+$0x30];
	v18 =	vadd.f32 v18, v23;
	v22 =	vadd.f32 v24, v22;
	v2 =	vmul.f32 v15, v2;
	s13 =	sadd.s32 $0x400, s13  }
0x5d: {  	v23 =	vld [tilespmem:s13+$0xFFFFFE70];
	v8 =	vadd.f32 v8, v25;
	v7 =	vadd.f32 v7, v20;
	v15 =	vmul.f32 v16, v1  }
0x5e: {  	v20 =	vld [tilespmem:s13+$0xFFFFFEF0];
	v16 =	vadd.f32 v19, v18;
	v2 =	vadd.f32 v2, v22;
	v1 =	vmul.f32 v14, v1  }
0x5f: {  	v22 =	vld [tilespmem:s13+$0xFFFFFF70];
	v6 =	vadd.f32 v6, v8;
	v5 =	vadd.f32 v5, v7;
	v7 =	vmul.f32 v13, v0  }
0x60: {  	v8 =	vld [tilespmem:s13+$0xFFFFFFF0];
	v13 =	vadd.f32 v15, v16;
	v1 =	vadd.f32 v1, v2;
	v2 =	vmul.f32 v17, v0  }
0x61: {  	v24 =	vld [tilespmem:s13+$0x70];
	v14 =	vadd.f32 v4, v6;
	v15 =	vadd.f32 v3, v5;
	v0 =	vmov v21  }
0x62: {  	v3 =	vld [tilespmem:s13+$0xF0];
	v16 =	vadd.f32 v7, v13;
	v17 =	vadd.f32 v2, v1  }
0x63: {  	v1 =	vld [tilespmem:s15+$0x20]  }
0x64: {  	v5 =	vld [tilespmem:s13+$0xFFFFFE60]  }
0x65: {  	v6 =	vld [tilespmem:s13+$0xFFFFFEE0]  }
0x66: {  	v7 =	vld [tilespmem:s13+$0xFFFFFF60]  }
0x67: {  	v21 =	vld [tilespmem:s13+$0xFFFFFFE0]  }
0x68: {  	v27 =	vld [tilespmem:s13+$0x60]  }
0x69: {  	v28 =	vld [tilespmem:s13+$0xE0]  }
0x6a: {  	v2 =	vld [tilespmem:s15+$0x10]  }
0x6b: {  	v29 =	vld [tilespmem:s13+$0xFFFFFE50]  }
0x6c: {  	v30 =	vld [tilespmem:s13+$0xFFFFFED0]  }
0x6d: {  	v31 =	vld [tilespmem:s13+$0xFFFFFF50]  }
0x6e: {  	v32 =	vld [tilespmem:s13+$0xFFFFFFD0]  }
0x6f: {  	v33 =	vld [tilespmem:s13+$0x50]  }
0x70: {  	v34 =	vld [tilespmem:s13+$0xD0]  }
0x71: {  	v13 =	vld [tilespmem:s15+$0x0]  }
0x72: {  	v35 =	vld [tilespmem:s13+$0xFFFFFE40]  }
0x73: {  	v36 =	vld [tilespmem:s13+$0xFFFFFEC0]  }
0x74: {  	v37 =	vld [tilespmem:s13+$0xFFFFFF40]  }
0x75: {  	v38 =	vld [tilespmem:s13+$0xFFFFFFC0]  }
0x76: {  	v39 =	vld [tilespmem:s13+$0x40]  }
0x77: {  	v40 =	vld [tilespmem:s13+$0xC0]  }
0x78: {  	v18 =	vld [tilespmem:s15+$0xFFFFFFF0]  }
0x79: {  	v41 =	vld [tilespmem:s13+$0xFFFFFE30]  }
0x7a: {  	v25 =	vmul.f32 v23, v0;
	v26 =	vmul.f32 v20, v0;
	v42 =	vld [tilespmem:s13+$0xFFFFFEB0]  }
0x7b: {  	v22 =	vmul.f32 v22, v0;
	v23 =	vmul.f32 v8, v0;
	v19 =	vld [tilespmem:s15+$0xFFFFFFE0]  }
0x7c: {  	v4 =	vmul.f32 v24, v0;
	v3 =	vmul.f32 v3, v0;
	v43 =	vld [tilespmem:s13+$0xFFFFFE20]  }
0x7d: {  	v45 =	vmul.f32 v5, v1;
	v46 =	vmul.f32 v6, v1;
	v44 =	vld [tilespmem:s13+$0xFFFFFEA0]  }
0x7e: {  	v47 =	vmul.f32 v7, v1;
	v48 =	vmul.f32 v21, v1;
	v24 =	vld [tilespmem:s15+$0xFFFFFFD0]  }
0x7f: {  	v6 =	vmul.f32 v27, v1;
	v5 =	vmul.f32 v28, v1;
	v49 =	vld [tilespmem:s13+$0xFFFFFE10]  }
0x80: {  	v28 =	vmul.f32 v29, v2;
	v29 =	vmul.f32 v30, v2;
	v27 =	vld [tilespmem:s13+$0xFFFFFE90]  }
0x81: {  	v31 =	vmul.f32 v31, v2;
	v32 =	vmul.f32 v32, v2;
	v30 =	vld [tilespmem:s15+$0xFFFFFFC0]  }
0x82: {  	v8 =	vmul.f32 v33, v2;
	v7 =	vmul.f32 v34, v2;
	v50 =	vld [tilespmem:s13+$0xFFFFFE00]  }
0x83: {  	v34 =	vmul.f32 v35, v13;
	v35 =	vmul.f32 v36, v13;
	v33 =	vld [tilespmem:s13+$0xFFFFFE80]  }
0x84: {  	v37 =	vmul.f32 v37, v13;
	v38 =	vmul.f32 v38, v13;
	v36 =	vld [tilespmem:s13+$0xFFFFFF00]  }
0x85: {  	v20 =	vmul.f32 v39, v13;
	v21 =	vmul.f32 v40, v13;
	v51 =	vld [tilespmem:s13+$0xFFFFFF80]  }
0x86: {  	v40 =	vmul.f32 v41, v18;
	v41 =	vmul.f32 v42, v18;
	v39 =	vld [tilespmem:s13+$0xFFFFFF10]  }
0x87: {  	v43 =	vmul.f32 v43, v19;
	v44 =	vmul.f32 v44, v19;
	v42 =	vld [tilespmem:s13+$0xFFFFFF90]  }
0x88: {  	v49 =	vmul.f32 v49, v24;
	v27 =	vmul.f32 v27, v24;
	v52 =	vld [tilespmem:s13+$0xFFFFFF20]  }
0x89: {  	v50 =	vmul.f32 v50, v30;
	v33 =	vmul.f32 v33, v30;
	v53 =	vld [tilespmem:s13+$0xFFFFFFA0]  }
0x8a: {  	v36 =	vmul.f32 v36, v30;
	v51 =	vmul.f32 v51, v30;
	v54 =	vld [tilespmem:s13+$0xFFFFFF30]  }
0x8b: {  	v12 =	vadd.f32 v50, v12;
	v11 =	vadd.f32 v33, v11;
	v33 =	vmul.f32 v39, v24;
	v39 =	vld [tilespmem:s13+$0xFFFFFFB0]  }
0x8c: {  	v10 =	vadd.f32 v36, v10;
	v9 =	vadd.f32 v51, v9;
	v36 =	vmul.f32 v42, v24;
	v42 =	vld [tilespmem:s13+$0x30]  }
0x8d: {  	v12 =	vadd.f32 v49, v12;
	v11 =	vadd.f32 v27, v11;
	v27 =	vmul.f32 v52, v19;
	v49 =	vld [tilespmem:s13+$0xB0]  }
0x8e: {  	v10 =	vadd.f32 v33, v10;
	v9 =	vadd.f32 v36, v9;
	v33 =	vmul.f32 v53, v19;
	v36 =	vld [tilespmem:s13+$0x20]  }
0x8f: {  	v12 =	vadd.f32 v43, v12;
	v11 =	vadd.f32 v44, v11;
	v43 =	vld [tilespmem:s13+$0xA0];
	v44 =	vmul.f32 v54, v18  }
0x90: {  	v10 =	vadd.f32 v27, v10;
	v50 =	vld [tilespmem:s13+$0x10];
	v9 =	vadd.f32 v33, v9;
	v27 =	vmul.f32 v39, v18  }
0x91: {  	v12 =	vadd.f32 v40, v12;
	v11 =	vadd.f32 v41, v11;
	v33 =	vld [tilespmem:s13+$0x90];
	v39 =	vmul.f32 v42, v18  }
0x92: {  	v10 =	vadd.f32 v44, v10;
	v40 =	vld [tilespmem:s13+$0x0];
	v9 =	vadd.f32 v27, v9;
	v27 =	vmul.f32 v49, v18  }
0x93: {  	v12 =	vadd.f32 v34, v12;
	v11 =	vadd.f32 v35, v11;
	v41 =	vld [tilespmem:s13+$0x80];
	v36 =	vmul.f32 v36, v19  }
0x94: {  	v10 =	vadd.f32 v37, v10;
	v34 =	vld [tilespmem:s13+$0x100];
	v35 =	vmul.f32 v43, v19;
	v9 =	vadd.f32 v38, v9  }
0x95: {  	s14 =	sadd.s32 $0x8, s14;
	v12 =	vadd.f32 v28, v12;
	v11 =	vadd.f32 v29, v11;
	v37 =	vld [tilespmem:s13+$0x180];
	v38 =	vmul.f32 v50, v24  }
0x96: {  	p0 =	slt.u32 s14, $0xF8;
	v10 =	vadd.f32 v31, v10;
	v28 =	vmul.f32 v33, v24;
	v29 =	vld [tilespmem:s13+$0x110];
	v9 =	vadd.f32 v32, v9  }
0x97: {  	v12 =	vadd.f32 v45, v12;
	v11 =	vadd.f32 v46, v11;
	v31 =	vmul.f32 v40, v30;
	v32 =	vld [tilespmem:s13+$0x190]  }
0x98: {  	v10 =	vadd.f32 v47, v10;
	v33 =	vmul.f32 v41, v30;
	v40 =	vld [tilespmem:s13+$0x120];
	v9 =	vadd.f32 v48, v9  }
0x99: {  	v12 =	vadd.f32 v25, v12;
	v11 =	vadd.f32 v26, v11;
	v34 =	vmul.f32 v34, v30;
	v41 =	vld [tilespmem:s13+$0x1A0]  }
0x9a: {  	v10 =	vadd.f32 v22, v10;
	v25 =	vmul.f32 v37, v30;
	v26 =	vld [tilespmem:s13+$0x130];
	v9 =	vadd.f32 v23, v9  }
0x9b: {  	v14 =	vadd.f32 v31, v14;
	v15 =	vadd.f32 v33, v15;
	v22 =	vmul.f32 v29, v24;
	v23 =	vld [tilespmem:s13+$0x1B0]  }
0x9c: {  	v16 =	vadd.f32 v34, v16;
	v17 =	vadd.f32 v25, v17;
	v24 =	vmul.f32 v32, v24;
	v25 =	vld [tilespmem:s13+$0x140]  }
0x9d: {  	v14 =	vadd.f32 v38, v14;
	v15 =	vadd.f32 v28, v15;
	v28 =	vmul.f32 v40, v19;
	v29 =	vld [tilespmem:s13+$0x1C0]  }
0x9e: {  	v16 =	vadd.f32 v22, v16;
	v17 =	vadd.f32 v24, v17;
	v19 =	vmul.f32 v41, v19;
	v30 =	vld [tilespmem:s13+$0x150]  }
.Ltmp0:
0x9f: {  	v14 =	vadd.f32 v36, v14;
	v22 =	vadd.f32 v35, v15;
	v24 =	vmul.f32 v26, v18;
	v15 =	vld [tilespmem:s13+$0x1D0];
	(pc) =	sbr.rel @p0 .LBB2_2-.Ltmp0, $4  }
0xa0: {  	v26 =	vadd.f32 v28, v16;
	v17 =	vadd.f32 v19, v17;
	v19 =	vmul.f32 v23, v18;
	v16 =	vld [tilespmem:s13+$0x160]  }
0xa1: {  	v28 =	vadd.f32 v39, v14;
	v27 =	vadd.f32 v27, v22;
	v18 =	vmul.f32 v25, v13;
	v14 =	vld [tilespmem:s13+$0x1E0]  }
0xa2: {  	v23 =	vadd.f32 v24, v26;
	v22 =	vadd.f32 v19, v17;
	v24 =	vmul.f32 v29, v13;
	v13 =	vld [tilespmem:s13+$0x170]  }
0xa3: {  	s15 =	sadd.s32 $0x80, s15;
	v25 =	vadd.f32 v20, v28;
	v20 =	vadd.f32 v21, v27;
	v19 =	vmul.f32 v30, v2;
	v17 =	vld [tilespmem:s13+$0x1F0]  }
0xa4: {  	_ = 	snop  }
0xa5: {  	v18 =	vadd.f32 v18, v23;
	s13 =	sshll.u32 s12, $0x8;
	v8 =	vadd.f32 v8, v25  }
0xa6: {  	v21 =	vadd.f32 v24, v22;
	v2 =	vmul.f32 v15, v2;
	v7 =	vadd.f32 v7, v20;
	s13 =	sand.u32 $0x3FFFFF00, s13  }
0xa7: {  	v15 =	vmul.f32 v16, v1;
	v16 =	vadd.f32 v19, v18;
	[tilespmem:s13+$0x11000] =	vst v12;
	v6 =	vadd.f32 v6, v8  }
0xa8: {  	v2 =	vadd.f32 v2, v21;
	v1 =	vmul.f32 v14, v1;
	[tilespmem:s13+$0x11010] =	vst v11;
	v5 =	vadd.f32 v5, v7  }
0xa9: {  	[tilespmem:s13+$0x11020] =	vst v10;
	v7 =	vmul.f32 v13, v0;
	v8 =	vadd.f32 v15, v16;
	v4 =	vadd.f32 v4, v6  }
0xaa: {  	[tilespmem:s13+$0x11030] =	vst v9;
	v1 =	vadd.f32 v1, v2;
	v0 =	vmul.f32 v17, v0;
	v2 =	vadd.f32 v3, v5  }
0xab: {  	s14 =	sshll.u32 s12, $0x1;
	p0 =	seq.s32 s12, $0x7;
	v3 =	vadd.f32 v7, v8;
	[tilespmem:s13+$0x11040] =	vst v4  }
0xac: {  	s15 =	sadd.s32 @!p0 s14, s8;
	v0 =	vadd.f32 v0, v1;
	[tilespmem:s13+$0x11050] =	vst v2  }
0xad: {  	s15 =	sshll.u32 @!p0 s15, $0xC;
	[tilespmem:s13+$0x11060] =	vst v3  }
0xae: {  	s16 =	simm.s32 @!p0 $0x0;
	s17 =	simm.s32 @!p0 $0x1000;
	s15 =	sadd.s32 @!p0 s5, s15;
	[tilespmem:s13+$0x11070] =	vst v0  }
0xaf: {  	[tilespmem:s17], [sflag:$0x1] =	stream.linear.gather @!p0 [hbm4b:s15+s16], $0x8000, $0x38;
	[tilespmem:$0x15900] =	vst v63  }
0xb0: {  	_ =	swait.ge [sflag:s11], $0x8000  }
0xb1: {  	[sflag:s11] =	ssyncset.done $0x0  }
0xb2: {  	s31 =	simm.s32 $0x40;
	[sflag:s11] =	ssyncadd.s32 $0xFFFF8000  }
0xb3: {  	s15 =	simm.s32 $0x9200;
	v0 =	vld [tilespmem:s31+$0x30]  }
0xb4: {  	v3 =	vld [tilespmem:s15+$0xFFFFFE70]  }
0xb5: {  	v4 =	vld [tilespmem:s15+$0xFFFFFEF0]  }
0xb6: {  	v5 =	vld [tilespmem:s15+$0xFFFFFF70]  }
0xb7: {  	v6 =	vld [tilespmem:s15+$0xFFFFFFF0]  }
0xb8: {  	v7 =	vld [tilespmem:s15+$0x70]  }
0xb9: {  	v8 =	vld [tilespmem:s15+$0xF0]  }
0xba: {  	v1 =	vld [tilespmem:s31+$0x20]  }
0xbb: {  	v9 =	vld [tilespmem:s15+$0xFFFFFE60]  }
0xbc: {  	v10 =	vld [tilespmem:s15+$0xFFFFFEE0]  }
0xbd: {  	v11 =	vld [tilespmem:s15+$0xFFFFFF60]  }
0xbe: {  	v12 =	vld [tilespmem:s15+$0xFFFFFFE0]  }
0xbf: {  	v15 =	vld [tilespmem:s15+$0x60]  }
0xc0: {  	v16 =	vld [tilespmem:s15+$0xE0]  }
0xc1: {  	v2 =	vld [tilespmem:s31+$0x10]  }
0xc2: {  	v17 =	vld [tilespmem:s15+$0xFFFFFE50]  }
0xc3: {  	v18 =	vld [tilespmem:s15+$0xFFFFFED0]  }
0xc4: {  	v19 =	vld [tilespmem:s15+$0xFFFFFF50]  }
0xc5: {  	v20 =	vld [tilespmem:s15+$0xFFFFFFD0]  }
0xc6: {  	v21 =	vld [tilespmem:s15+$0x50]  }
0xc7: {  	v22 =	vld [tilespmem:s15+$0xD0]  }
0xc8: {  	v13 =	vld [tilespmem:s31+$0x0]  }
0xc9: {  	v23 =	vld [tilespmem:s15+$0xFFFFFE40]  }
0xca: {  	v24 =	vld [tilespmem:s15+$0xFFFFFEC0]  }
0xcb: {  	v25 =	vld [tilespmem:s15+$0xFFFFFF40]  }
0xcc: {  	v26 =	vld [tilespmem:s15+$0xFFFFFFC0]  }
0xcd: {  	v27 =	vld [tilespmem:s15+$0x40]  }
0xce: {  	v28 =	vld [tilespmem:s15+$0xC0]  }
0xcf: {  	v14 =	vld [tilespmem:s31+$0xFFFFFFF0]  }
0xd0: {  	v29 =	vld [tilespmem:s15+$0xFFFFFE30]  }
0xd1: {  	v30 =	vld [tilespmem:s15+$0xFFFFFEB0];
	v31 =	vmul.f32 v3, v0;
	v32 =	vmul.f32 v4, v0  }
0xd2: {  	v33 =	vld [tilespmem:s31+$0xFFFFFFE0];
	v34 =	vmul.f32 v5, v0;
	v35 =	vmul.f32 v6, v0  }
0xd3: {  	v36 =	vld [tilespmem:s15+$0xFFFFFE20];
	v4 =	vmul.f32 v7, v0;
	v3 =	vmul.f32 v8, v0  }
0xd4: {  	v37 =	vld [tilespmem:s15+$0xFFFFFEA0];
	v9 =	vmul.f32 v9, v1;
	v10 =	vmul.f32 v10, v1  }
0xd5: {  	v38 =	vld [tilespmem:s31+$0xFFFFFFD0];
	v11 =	vmul.f32 v11, v1;
	v12 =	vmul.f32 v12, v1  }
0xd6: {  	v39 =	vld [tilespmem:s15+$0xFFFFFE10];
	v6 =	vmul.f32 v15, v1;
	v5 =	vmul.f32 v16, v1  }
0xd7: {  	v40 =	vld [tilespmem:s15+$0xFFFFFE00];
	v16 =	vmul.f32 v17, v2;
	v17 =	vmul.f32 v18, v2  }
0xd8: {  	v41 =	vld [tilespmem:s15+$0xFFFFFF80];
	v19 =	vmul.f32 v19, v2;
	v20 =	vmul.f32 v20, v2  }
0xd9: {  	v42 =	vld [tilespmem:s15+$0xFFFFFF10];
	v8 =	vmul.f32 v21, v2;
	v7 =	vmul.f32 v22, v2  }
0xda: {  	v18 =	vld [tilespmem:s31+$0xFFFFFFC0];
	v22 =	vmul.f32 v23, v13;
	v23 =	vmul.f32 v24, v13  }
0xdb: {  	v21 =	vld [tilespmem:s15+$0xFFFFFE80];
	v25 =	vmul.f32 v25, v13;
	v26 =	vmul.f32 v26, v13  }
0xdc: {  	v24 =	vld [tilespmem:s15+$0xFFFFFF00];
	v27 =	vmul.f32 v27, v13;
	v28 =	vmul.f32 v28, v13  }
0xdd: {  	v15 =	vld [tilespmem:s15+$0xFFFFFE90];
	v29 =	vmul.f32 v29, v14;
	v30 =	vmul.f32 v30, v14  }
0xde: {  	v43 =	vld [tilespmem:s15+$0xFFFFFF90];
	v36 =	vmul.f32 v36, v33;
	v37 =	vmul.f32 v37, v33  }
0xdf: {  	v45 =	vld [tilespmem:s15+$0xFFFFFFA0];
	v39 =	vmul.f32 v39, v38;
	v42 =	vmul.f32 v42, v38  }
0xe0: {  	v44 =	vld [tilespmem:s15+$0xFFFFFF20];
	v40 =	vmul.f32 v40, v18;
	v21 =	vmul.f32 v21, v18  }
0xe1: {  	v46 =	vimm.f32 $0.0e+00;
	v47 =	vld [tilespmem:s15+$0xFFFFFF30];
	v24 =	vmul.f32 v24, v18;
	v41 =	vmul.f32 v41, v18  }
0xe2: {  	v48 =	vld [tilespmem:s15+$0xFFFFFFB0];
	v15 =	vmul.f32 v15, v38;
	v40 =	vadd.f32 v40, v46;
	v21 =	vadd.f32 v21, v46  }
0xe3: {  	v49 =	vld [tilespmem:s15+$0x30];
	v43 =	vmul.f32 v43, v38;
	v24 =	vadd.f32 v24, v46;
	v41 =	vadd.f32 v41, v46  }
0xe4: {  	v63 =	vld [tilespmem:s15+$0xB0];
	v50 =	vmul.f32 v45, v33;
	v39 =	vadd.f32 v39, v40;
	v15 =	vadd.f32 v15, v21  }
0xe5: {  	v51 =	vld [tilespmem:s15+$0x20];
	v21 =	vmul.f32 v44, v33;
	v24 =	vadd.f32 v42, v24;
	v41 =	vadd.f32 v43, v41  }
0xe6: {  	v52 =	vld [tilespmem:s15+$0xA0];
	v53 =	vmul.f32 v47, v14;
	v36 =	vadd.f32 v36, v39;
	v15 =	vadd.f32 v37, v15  }
0xe7: {  	v54 =	vld [tilespmem:s15+$0x10];
	v55 =	vmul.f32 v48, v14;
	v21 =	vadd.f32 v21, v24;
	v24 =	vadd.f32 v50, v41  }
0xe8: {  	v56 =	vld [tilespmem:s15+$0x90];
	v57 =	vmul.f32 v49, v14;
	v29 =	vadd.f32 v29, v36;
	v15 =	vadd.f32 v30, v15  }
0xe9: {  	v58 =	vld [tilespmem:s15+$0x0];
	v59 =	vmul.f32 v63, v14;
	v21 =	vadd.f32 v53, v21;
	v24 =	vadd.f32 v55, v24  }
0xea: {  	v60 =	vld [tilespmem:s15+$0x80];
	v61 =	vmul.f32 v51, v33;
	v22 =	vadd.f32 v22, v29;
	v15 =	vadd.f32 v23, v15  }
0xeb: {  	v62 =	vmul.f32 v52, v33;
	v23 =	vld [tilespmem:s15+$0x100];
	v21 =	vadd.f32 v25, v21;
	v24 =	vadd.f32 v26, v24  }
0xec: {  	v25 =	vld [tilespmem:s15+$0x180];
	v26 =	vmul.f32 v54, v38;
	v16 =	vadd.f32 v16, v22;
	v15 =	vadd.f32 v17, v15  }
0xed: {  	v17 =	vmul.f32 v56, v38;
	v22 =	vld [tilespmem:s15+$0x110];
	v19 =	vadd.f32 v19, v21;
	v20 =	vadd.f32 v20, v24  }
0xee: {  	v21 =	vmul.f32 v58, v18;
	v24 =	vld [tilespmem:s15+$0x190];
	v9 =	vadd.f32 v9, v16;
	v10 =	vadd.f32 v10, v15  }
0xef: {  	v15 =	vmul.f32 v60, v18;
	v16 =	vld [tilespmem:s15+$0x120];
	v19 =	vadd.f32 v11, v19;
	v20 =	vadd.f32 v12, v20  }
0xf0: {  	v63 =	vld [tilespmem:s15+$0x1A0];
	v23 =	vmul.f32 v23, v18;
	v12 =	vadd.f32 v31, v9;
	v11 =	vadd.f32 v32, v10  }
0xf1: {  	v18 =	vmul.f32 v25, v18;
	v25 =	vld [tilespmem:s15+$0x130];
	v10 =	vadd.f32 v34, v19;
	v9 =	vadd.f32 v35, v20  }
0xf2: {  	v19 =	vadd.f32 v21, v46;
	v15 =	vadd.f32 v15, v46;
	v21 =	vld [tilespmem:s15+$0x1B0];
	v20 =	vmul.f32 v22, v38  }
0xf3: {  	v22 =	vadd.f32 v23, v46;
	v18 =	vadd.f32 v18, v46;
	v23 =	vmul.f32 v24, v38;
	v24 =	vld [tilespmem:s15+$0x140]  }
0xf4: {  	v19 =	vadd.f32 v26, v19;
	v15 =	vadd.f32 v17, v15;
	v17 =	vld [tilespmem:s15+$0x1C0];
	v16 =	vmul.f32 v16, v33  }
0xf5: {  	v26 =	vld [tilespmem:s15+$0x150];
	v20 =	vadd.f32 v20, v22;
	v18 =	vadd.f32 v23, v18;
	v22 =	vmul.f32 v63, v33  }
0xf6: {  	v19 =	vadd.f32 v61, v19;
	v23 =	vadd.f32 v62, v15;
	v25 =	vmul.f32 v25, v14;
	v15 =	vld [tilespmem:s15+$0x1D0]  }
0xf7: {  	v20 =	vadd.f32 v16, v20;
	v22 =	vadd.f32 v22, v18;
	v21 =	vmul.f32 v21, v14;
	v16 =	vld [tilespmem:s15+$0x160]  }
0xf8: {  	v14 =	vld [tilespmem:s15+$0x1E0];
	v19 =	vadd.f32 v57, v19;
	v29 =	vadd.f32 v59, v23;
	v18 =	vmul.f32 v24, v13  }
0xf9: {  	v23 =	vadd.f32 v25, v20;
	v22 =	vadd.f32 v21, v22;
	v24 =	vmul.f32 v17, v13;
	v13 =	vld [tilespmem:s15+$0x170]  }
0xfa: {  	s16 =	simm.s32 $0x0;
	s17 =	simm.s32 $0xC0;
	v17 =	vld [tilespmem:s15+$0x1F0];
	v25 =	vadd.f32 v27, v19;
	v20 =	vadd.f32 v28, v29;
	v19 =	vmul.f32 v26, v2  }
.LBB2_4:
0xfb: {  	v21 =	vld [tilespmem:s17+$0x30];
	v18 =	vadd.f32 v18, v23;
	v22 =	vadd.f32 v24, v22;
	v2 =	vmul.f32 v15, v2;
	s15 =	sadd.s32 $0x400, s15  }
0xfc: {  	v23 =	vld [tilespmem:s15+$0xFFFFFE70];
	v8 =	vadd.f32 v8, v25;
	v7 =	vadd.f32 v7, v20;
	v15 =	vmul.f32 v16, v1  }
0xfd: {  	v20 =	vld [tilespmem:s15+$0xFFFFFEF0];
	v16 =	vadd.f32 v19, v18;
	v2 =	vadd.f32 v2, v22;
	v1 =	vmul.f32 v14, v1  }
0xfe: {  	v22 =	vld [tilespmem:s15+$0xFFFFFF70];
	v6 =	vadd.f32 v6, v8;
	v5 =	vadd.f32 v5, v7;
	v7 =	vmul.f32 v13, v0  }
0xff: {  	v8 =	vld [tilespmem:s15+$0xFFFFFFF0];
	v13 =	vadd.f32 v15, v16;
	v1 =	vadd.f32 v1, v2;
	v2 =	vmul.f32 v17, v0  }
0x100: {  	v24 =	vld [tilespmem:s15+$0x70];
	v14 =	vadd.f32 v4, v6;
	v15 =	vadd.f32 v3, v5;
	v0 =	vmov v21  }
0x101: {  	v3 =	vld [tilespmem:s15+$0xF0];
	v16 =	vadd.f32 v7, v13;
	v17 =	vadd.f32 v2, v1  }
0x102: {  	v1 =	vld [tilespmem:s17+$0x20]  }
0x103: {  	v5 =	vld [tilespmem:s15+$0xFFFFFE60]  }
0x104: {  	v6 =	vld [tilespmem:s15+$0xFFFFFEE0]  }
0x105: {  	v7 =	vld [tilespmem:s15+$0xFFFFFF60]  }
0x106: {  	v21 =	vld [tilespmem:s15+$0xFFFFFFE0]  }
0x107: {  	v27 =	vld [tilespmem:s15+$0x60]  }
0x108: {  	v28 =	vld [tilespmem:s15+$0xE0]  }
0x109: {  	v2 =	vld [tilespmem:s17+$0x10]  }
0x10a: {  	v29 =	vld [tilespmem:s15+$0xFFFFFE50]  }
0x10b: {  	v30 =	vld [tilespmem:s15+$0xFFFFFED0]  }
0x10c: {  	v31 =	vld [tilespmem:s15+$0xFFFFFF50]  }
0x10d: {  	v32 =	vld [tilespmem:s15+$0xFFFFFFD0]  }
0x10e: {  	v33 =	vld [tilespmem:s15+$0x50]  }
0x10f: {  	v34 =	vld [tilespmem:s15+$0xD0]  }
0x110: {  	v13 =	vld [tilespmem:s17+$0x0]  }
0x111: {  	v35 =	vld [tilespmem:s15+$0xFFFFFE40]  }
0x112: {  	v36 =	vld [tilespmem:s15+$0xFFFFFEC0]  }
0x113: {  	v37 =	vld [tilespmem:s15+$0xFFFFFF40]  }
0x114: {  	v38 =	vld [tilespmem:s15+$0xFFFFFFC0]  }
0x115: {  	v39 =	vld [tilespmem:s15+$0x40]  }
0x116: {  	v40 =	vld [tilespmem:s15+$0xC0]  }
0x117: {  	v18 =	vld [tilespmem:s17+$0xFFFFFFF0]  }
0x118: {  	v41 =	vld [tilespmem:s15+$0xFFFFFE30]  }
0x119: {  	v25 =	vmul.f32 v23, v0;
	v26 =	vmul.f32 v20, v0;
	v42 =	vld [tilespmem:s15+$0xFFFFFEB0]  }
0x11a: {  	v22 =	vmul.f32 v22, v0;
	v23 =	vmul.f32 v8, v0;
	v19 =	vld [tilespmem:s17+$0xFFFFFFE0]  }
0x11b: {  	v4 =	vmul.f32 v24, v0;
	v3 =	vmul.f32 v3, v0;
	v43 =	vld [tilespmem:s15+$0xFFFFFE20]  }
0x11c: {  	v45 =	vmul.f32 v5, v1;
	v46 =	vmul.f32 v6, v1;
	v44 =	vld [tilespmem:s15+$0xFFFFFEA0]  }
0x11d: {  	v47 =	vmul.f32 v7, v1;
	v48 =	vmul.f32 v21, v1;
	v24 =	vld [tilespmem:s17+$0xFFFFFFD0]  }
0x11e: {  	v6 =	vmul.f32 v27, v1;
	v5 =	vmul.f32 v28, v1;
	v49 =	vld [tilespmem:s15+$0xFFFFFE10]  }
0x11f: {  	v28 =	vmul.f32 v29, v2;
	v29 =	vmul.f32 v30, v2;
	v27 =	vld [tilespmem:s15+$0xFFFFFE90]  }
0x120: {  	v31 =	vmul.f32 v31, v2;
	v32 =	vmul.f32 v32, v2;
	v30 =	vld [tilespmem:s17+$0xFFFFFFC0]  }
0x121: {  	v8 =	vmul.f32 v33, v2;
	v7 =	vmul.f32 v34, v2;
	v50 =	vld [tilespmem:s15+$0xFFFFFE00]  }
0x122: {  	v34 =	vmul.f32 v35, v13;
	v35 =	vmul.f32 v36, v13;
	v33 =	vld [tilespmem:s15+$0xFFFFFE80]  }
0x123: {  	v37 =	vmul.f32 v37, v13;
	v38 =	vmul.f32 v38, v13;
	v36 =	vld [tilespmem:s15+$0xFFFFFF00]  }
0x124: {  	v20 =	vmul.f32 v39, v13;
	v21 =	vmul.f32 v40, v13;
	v51 =	vld [tilespmem:s15+$0xFFFFFF80]  }
0x125: {  	v40 =	vmul.f32 v41, v18;
	v41 =	vmul.f32 v42, v18;
	v39 =	vld [tilespmem:s15+$0xFFFFFF10]  }
0x126: {  	v43 =	vmul.f32 v43, v19;
	v44 =	vmul.f32 v44, v19;
	v42 =	vld [tilespmem:s15+$0xFFFFFF90]  }
0x127: {  	v49 =	vmul.f32 v49, v24;
	v27 =	vmul.f32 v27, v24;
	v52 =	vld [tilespmem:s15+$0xFFFFFF20]  }
0x128: {  	v50 =	vmul.f32 v50, v30;
	v33 =	vmul.f32 v33, v30;
	v53 =	vld [tilespmem:s15+$0xFFFFFFA0]  }
0x129: {  	v36 =	vmul.f32 v36, v30;
	v51 =	vmul.f32 v51, v30;
	v54 =	vld [tilespmem:s15+$0xFFFFFF30]  }
0x12a: {  	v12 =	vadd.f32 v50, v12;
	v11 =	vadd.f32 v33, v11;
	v33 =	vmul.f32 v39, v24;
	v39 =	vld [tilespmem:s15+$0xFFFFFFB0]  }
0x12b: {  	v10 =	vadd.f32 v36, v10;
	v9 =	vadd.f32 v51, v9;
	v36 =	vmul.f32 v42, v24;
	v42 =	vld [tilespmem:s15+$0x30]  }
0x12c: {  	v12 =	vadd.f32 v49, v12;
	v11 =	vadd.f32 v27, v11;
	v27 =	vmul.f32 v52, v19;
	v49 =	vld [tilespmem:s15+$0xB0]  }
0x12d: {  	v10 =	vadd.f32 v33, v10;
	v9 =	vadd.f32 v36, v9;
	v33 =	vmul.f32 v53, v19;
	v36 =	vld [tilespmem:s15+$0x20]  }
0x12e: {  	v12 =	vadd.f32 v43, v12;
	v11 =	vadd.f32 v44, v11;
	v43 =	vld [tilespmem:s15+$0xA0];
	v44 =	vmul.f32 v54, v18  }
0x12f: {  	v10 =	vadd.f32 v27, v10;
	v50 =	vld [tilespmem:s15+$0x10];
	v9 =	vadd.f32 v33, v9;
	v27 =	vmul.f32 v39, v18  }
0x130: {  	v12 =	vadd.f32 v40, v12;
	v11 =	vadd.f32 v41, v11;
	v33 =	vld [tilespmem:s15+$0x90];
	v39 =	vmul.f32 v42, v18  }
0x131: {  	v10 =	vadd.f32 v44, v10;
	v40 =	vld [tilespmem:s15+$0x0];
	v9 =	vadd.f32 v27, v9;
	v27 =	vmul.f32 v49, v18  }
0x132: {  	v12 =	vadd.f32 v34, v12;
	v11 =	vadd.f32 v35, v11;
	v41 =	vld [tilespmem:s15+$0x80];
	v36 =	vmul.f32 v36, v19  }
0x133: {  	v10 =	vadd.f32 v37, v10;
	v34 =	vld [tilespmem:s15+$0x100];
	v35 =	vmul.f32 v43, v19;
	v9 =	vadd.f32 v38, v9  }
0x134: {  	s16 =	sadd.s32 $0x8, s16;
	v12 =	vadd.f32 v28, v12;
	v11 =	vadd.f32 v29, v11;
	v37 =	vld [tilespmem:s15+$0x180];
	v38 =	vmul.f32 v50, v24  }
0x135: {  	p0 =	slt.u32 s16, $0xF8;
	v10 =	vadd.f32 v31, v10;
	v28 =	vmul.f32 v33, v24;
	v29 =	vld [tilespmem:s15+$0x110];
	v9 =	vadd.f32 v32, v9  }
0x136: {  	v12 =	vadd.f32 v45, v12;
	v11 =	vadd.f32 v46, v11;
	v31 =	vmul.f32 v40, v30;
	v32 =	vld [tilespmem:s15+$0x190]  }
0x137: {  	v10 =	vadd.f32 v47, v10;
	v33 =	vmul.f32 v41, v30;
	v40 =	vld [tilespmem:s15+$0x120];
	v9 =	vadd.f32 v48, v9  }
0x138: {  	v12 =	vadd.f32 v25, v12;
	v11 =	vadd.f32 v26, v11;
	v34 =	vmul.f32 v34, v30;
	v41 =	vld [tilespmem:s15+$0x1A0]  }
0x139: {  	v10 =	vadd.f32 v22, v10;
	v25 =	vmul.f32 v37, v30;
	v26 =	vld [tilespmem:s15+$0x130];
	v9 =	vadd.f32 v23, v9  }
0x13a: {  	v14 =	vadd.f32 v31, v14;
	v15 =	vadd.f32 v33, v15;
	v22 =	vmul.f32 v29, v24;
	v23 =	vld [tilespmem:s15+$0x1B0]  }
0x13b: {  	v16 =	vadd.f32 v34, v16;
	v17 =	vadd.f32 v25, v17;
	v24 =	vmul.f32 v32, v24;
	v25 =	vld [tilespmem:s15+$0x140]  }
0x13c: {  	v14 =	vadd.f32 v38, v14;
	v15 =	vadd.f32 v28, v15;
	v28 =	vmul.f32 v40, v19;
	v29 =	vld [tilespmem:s15+$0x1C0]  }
0x13d: {  	v16 =	vadd.f32 v22, v16;
	v17 =	vadd.f32 v24, v17;
	v19 =	vmul.f32 v41, v19;
	v30 =	vld [tilespmem:s15+$0x150]  }
.Ltmp1:
0x13e: {  	v14 =	vadd.f32 v36, v14;
	v22 =	vadd.f32 v35, v15;
	v24 =	vmul.f32 v26, v18;
	v15 =	vld [tilespmem:s15+$0x1D0];
	(pc) =	sbr.rel @p0 .LBB2_4-.Ltmp1, $4  }
0x13f: {  	v26 =	vadd.f32 v28, v16;
	v17 =	vadd.f32 v19, v17;
	v19 =	vmul.f32 v23, v18;
	v16 =	vld [tilespmem:s15+$0x160]  }
0x140: {  	v28 =	vadd.f32 v39, v14;
	v27 =	vadd.f32 v27, v22;
	v18 =	vmul.f32 v25, v13;
	v14 =	vld [tilespmem:s15+$0x1E0]  }
0x141: {  	v23 =	vadd.f32 v24, v26;
	v22 =	vadd.f32 v19, v17;
	v24 =	vmul.f32 v29, v13;
	v13 =	vld [tilespmem:s15+$0x170]  }
0x142: {  	s17 =	sadd.s32 $0x80, s17;
	v25 =	vadd.f32 v20, v28;
	v20 =	vadd.f32 v21, v27;
	v19 =	vmul.f32 v30, v2;
	v17 =	vld [tilespmem:s15+$0x1F0]  }
0x143: {  	_ = 	snop  }
0x144: {  	v18 =	vadd.f32 v18, v23;
	v8 =	vadd.f32 v8, v25  }
0x145: {  	v21 =	vadd.f32 v24, v22;
	v2 =	vmul.f32 v15, v2;
	v7 =	vadd.f32 v7, v20  }
0x146: {  	[tilespmem:s13+$0x11080] =	vst v12;
	v56 =	vmul.f32 v16, v1;
	v57 =	vadd.f32 v19, v18;
	v6 =	vadd.f32 v6, v8  }
0x147: {  	[tilespmem:s13+$0x11090] =	vst v11;
	v2 =	vadd.f32 v2, v21;
	v58 =	vmul.f32 v14, v1;
	v5 =	vadd.f32 v5, v7  }
0x148: {  	[tilespmem:s13+$0x110A0] =	vst v10;
	p0 =	sne.s32 s12, $0x7;
	v59 =	vmul.f32 v13, v0;
	v60 =	vadd.f32 v56, v57;
	v4 =	vadd.f32 v4, v6  }
.Ltmp2:
0x149: {  	[tilespmem:s13+$0x110B0] =	vst v9;
	v1 =	vadd.f32 v58, v2;
	v61 =	vmul.f32 v17, v0;
	v62 =	vadd.f32 v3, v5;
	(pc) =	sbr.rel @!p0 .LBB2_6-.Ltmp2, $4  }
0x14a: {  	v63 =	vadd.f32 v59, v60;
	[tilespmem:s13+$0x110C0] =	vst v4  }
0x14b: {  	v0 =	vadd.f32 v61, v1;
	[tilespmem:s13+$0x110D0] =	vst v62  }
0x14c: {  	[tilespmem:s13+$0x110E0] =	vst v63  }
0x14d: {  	[tilespmem:s13+$0x110F0] =	vst v0  }
.Ltmp3:
0x14e: {  	(pc) =	sbr.rel .LBB2_1-.Ltmp3, $4  }
0x14f: {  	s13 =	sadd.s32 s14, s9  }
0x150: {  	s13 =	sshll.u32 s13, $0xC  }
0x151: {  	s12 =	sadd.s32 $0x1, s12;
	s13 =	sadd.s32 s5, s13  }
0x152: {  	[tilespmem:s7], [sflag:$0x2] =	stream.linear.gather [hbm4b:s13+s6], $0x8000, $0x38;
	[tilespmem:$0x15900] =	vst v63  }
.LBB2_6:
0x153: {  	s5 =	simm.s32 $0x11020  }
0x154: {  	v4 =	vld [tilespmem:s5+$0xFFFFFFF8]  }
0x155: {  	v5 =	vld [tilespmem:s5+$0x18]  }
0x156: {  	v6 =	vld [tilespmem:s5+$0x10]  }
0x157: {  	v7 =	vld [tilespmem:s5+$0xFFFFFFF0]  }
0x158: {  	v0 =	vld [tilespmem:s5+$0x8]  }
0x159: {  	v2 =	vld [tilespmem:s5+$0x0]  }
0x15a: {  	v1 =	vld [tilespmem:s5+$0xFFFFFFE8]  }
0x15b: {  	v3 =	vld [tilespmem:s5+$0xFFFFFFE0];
	v5 =	vadd.f32 v5, v6  }
0x15c: {  	s6 =	simm.s32 $0x0;
	s7 =	simm.s32 $0x11060;
	v4 =	vadd.f32 v4, v7  }
.LBB2_7:
0x15d: {  	v6 =	vld [tilespmem:s7+$0xFFFFFFF8];
	s6 =	sadd.s32 $0x4, s6;
	[tilespmem:s5+$0x10] =	vst v5  }
0x15e: {  	v5 =	vld [tilespmem:s7+$0x18];
	p0 =	slt.u32 s6, $0x7C;
	[tilespmem:s5+$0xFFFFFFF0] =	vst v4;
	v0 =	vadd.f32 v0, v2  }
0x15f: {  	v4 =	vld [tilespmem:s7+$0x10]  }
0x160: {  	v7 =	vld [tilespmem:s7+$0xFFFFFFF0];
	v1 =	vadd.f32 v1, v3;
	[tilespmem:s5+$0x0] =	vst v0  }
.Ltmp4:
0x161: {  	v0 =	vld [tilespmem:s7+$0x8];
	(pc) =	sbr.rel @p0 .LBB2_7-.Ltmp4, $4  }
0x162: {  	v2 =	vld [tilespmem:s7+$0x0];
	[tilespmem:s5+$0xFFFFFFE0] =	vst v1;
	s5 =	smov.u32 s7  }
0x163: {  	v1 =	vld [tilespmem:s7+$0xFFFFFFE8]  }
0x164: {  	v3 =	vld [tilespmem:s7+$0xFFFFFFE0];
	v5 =	vadd.f32 v5, v4  }
0x165: {  	s7 =	sadd.s32 $0x40, s7;
	v4 =	vadd.f32 v6, v7  }
0x166: {  	_ =	sdelay $0x1  }
0x167: {  	[tilespmem:s5+$0x10] =	vst v5;
	v0 =	vadd.f32 v0, v2  }
0x168: {  	[tilespmem:s5+$0xFFFFFFF0] =	vst v4;
	v1 =	vadd.f32 v1, v3  }
0x169: {  	[tilespmem:s5+$0x0] =	vst v0  }
0x16a: {  	[tilespmem:s5+$0xFFFFFFE0] =	vst v1;
	s5 =	simm.s32 $0x11020  }
0x16b: {  	v4 =	vld [tilespmem:s5+$0xFFFFFFF4]  }
0x16c: {  	v5 =	vld [tilespmem:s5+$0x14]  }
0x16d: {  	v6 =	vld [tilespmem:s5+$0x10]  }
0x16e: {  	v7 =	vld [tilespmem:s5+$0xFFFFFFF0]  }
0x16f: {  	v0 =	vld [tilespmem:s5+$0x4]  }
0x170: {  	v2 =	vld [tilespmem:s5+$0x0]  }
0x171: {  	v1 =	vld [tilespmem:s5+$0xFFFFFFE4]  }
0x172: {  	v3 =	vld [tilespmem:s5+$0xFFFFFFE0];
	v5 =	vadd.f32 v5, v6  }
0x173: {  	s6 =	simm.s32 $0x0;
	s7 =	simm.s32 $0x11060;
	v4 =	vadd.f32 v4, v7  }
.LBB2_9:
0x174: {  	v6 =	vld [tilespmem:s7+$0xFFFFFFF4];
	s6 =	sadd.s32 $0x4, s6;
	[tilespmem:s5+$0x10] =	vst v5  }
0x175: {  	v5 =	vld [tilespmem:s7+$0x14];
	p0 =	slt.u32 s6, $0x7C;
	[tilespmem:s5+$0xFFFFFFF0] =	vst v4;
	v0 =	vadd.f32 v0, v2  }
0x176: {  	v4 =	vld [tilespmem:s7+$0x10]  }
0x177: {  	v7 =	vld [tilespmem:s7+$0xFFFFFFF0];
	v1 =	vadd.f32 v1, v3;
	[tilespmem:s5+$0x0] =	vst v0  }
.Ltmp5:
0x178: {  	v0 =	vld [tilespmem:s7+$0x4];
	(pc) =	sbr.rel @p0 .LBB2_9-.Ltmp5, $4  }
0x179: {  	v2 =	vld [tilespmem:s7+$0x0];
	[tilespmem:s5+$0xFFFFFFE0] =	vst v1;
	s5 =	smov.u32 s7  }
0x17a: {  	v1 =	vld [tilespmem:s7+$0xFFFFFFE4]  }
0x17b: {  	v3 =	vld [tilespmem:s7+$0xFFFFFFE0];
	v5 =	vadd.f32 v5, v4  }
0x17c: {  	s7 =	sadd.s32 $0x40, s7;
	v4 =	vadd.f32 v6, v7  }
0x17d: {  	_ =	sdelay $0x1  }
0x17e: {  	[tilespmem:s5+$0x10] =	vst v5;
	v0 =	vadd.f32 v0, v2  }
0x17f: {  	[tilespmem:s5+$0xFFFFFFF0] =	vst v4;
	v1 =	vadd.f32 v1, v3  }
0x180: {  	[tilespmem:s5+$0x0] =	vst v0  }
0x181: {  	[tilespmem:s5+$0xFFFFFFE0] =	vst v1;
	s5 =	simm.s32 $0x11020  }
0x182: {  	v4 =	vld [tilespmem:s5+$0xFFFFFFF2]  }
0x183: {  	v5 =	vld [tilespmem:s5+$0x12]  }
0x184: {  	v6 =	vld [tilespmem:s5+$0x10]  }
0x185: {  	v7 =	vld [tilespmem:s5+$0xFFFFFFF0]  }
0x186: {  	v0 =	vld [tilespmem:s5+$0x2]  }
0x187: {  	v2 =	vld [tilespmem:s5+$0x0]  }
0x188: {  	v1 =	vld [tilespmem:s5+$0xFFFFFFE2]  }
0x189: {  	v3 =	vld [tilespmem:s5+$0xFFFFFFE0];
	v5 =	vadd.f32 v5, v6  }
0x18a: {  	s6 =	simm.s32 $0x0;
	s7 =	simm.s32 $0x11060;
	v4 =	vadd.f32 v4, v7  }
.LBB2_11:
0x18b: {  	v6 =	vld [tilespmem:s7+$0xFFFFFFF2];
	s6 =	sadd.s32 $0x4, s6;
	[tilespmem:s5+$0x10] =	vst v5  }
0x18c: {  	v5 =	vld [tilespmem:s7+$0x12];
	p0 =	slt.u32 s6, $0x7C;
	[tilespmem:s5+$0xFFFFFFF0] =	vst v4;
	v0 =	vadd.f32 v0, v2  }
0x18d: {  	v4 =	vld [tilespmem:s7+$0x10]  }
0x18e: {  	v7 =	vld [tilespmem:s7+$0xFFFFFFF0];
	v1 =	vadd.f32 v1, v3;
	[tilespmem:s5+$0x0] =	vst v0  }
.Ltmp6:
0x18f: {  	v0 =	vld [tilespmem:s7+$0x2];
	(pc) =	sbr.rel @p0 .LBB2_11-.Ltmp6, $4  }
0x190: {  	v2 =	vld [tilespmem:s7+$0x0];
	[tilespmem:s5+$0xFFFFFFE0] =	vst v1;
	s5 =	smov.u32 s7  }
0x191: {  	v1 =	vld [tilespmem:s7+$0xFFFFFFE2]  }
0x192: {  	v3 =	vld [tilespmem:s7+$0xFFFFFFE0];
	v5 =	vadd.f32 v5, v4  }
0x193: {  	s7 =	sadd.s32 $0x40, s7;
	v4 =	vadd.f32 v6, v7  }
0x194: {  	_ =	sdelay $0x1  }
0x195: {  	[tilespmem:s5+$0x10] =	vst v5;
	v0 =	vadd.f32 v0, v2  }
0x196: {  	[tilespmem:s5+$0xFFFFFFF0] =	vst v4;
	v1 =	vadd.f32 v1, v3  }
0x197: {  	[tilespmem:s5+$0x0] =	vst v0  }
0x198: {  	[tilespmem:s5+$0xFFFFFFE0] =	vst v1;
	s5 =	simm.s32 $0x11020  }
0x199: {  	v0 =	vld [tilespmem:s5+$0xFFFFFFE0]  }
0x19a: {  	v1 =	vld [tilespmem:s5+$0xFFFFFFE1];
	_ =	sdelay $0x4  }
0x19b: {  	v0 =	vadd.f32 v1, v0  }
0x19c: {  	s6 =	simm.s32 $0x11980  }
0x19d: {  	[tilespmem:s6+$0xFFFFFF00] =	vst v0  }
0x19e: {  	v0 =	vld [tilespmem:s5+$0xFFFFFFF1]  }
0x19f: {  	v1 =	vld [tilespmem:s5+$0xFFFFFFF0];
	_ =	sdelay $0x4  }
0x1a0: {  	v0 =	vadd.f32 v0, v1;
	_ =	sdelay $0x1  }
0x1a1: {  	[tilespmem:s6+$0xFFFFFF80] =	vst v0  }
0x1a2: {  	v0 =	vld [tilespmem:s5+$0x0]  }
0x1a3: {  	v1 =	vld [tilespmem:s5+$0x1];
	_ =	sdelay $0x4  }
0x1a4: {  	v0 =	vadd.f32 v1, v0;
	_ =	sdelay $0x1  }
0x1a5: {  	[tilespmem:s6+$0x0] =	vst v0  }
0x1a6: {  	v0 =	vld [tilespmem:s5+$0x10]  }
0x1a7: {  	s8 =	simm.s32 $0x0;
	s7 =	simm.s32 $0x11980;
	v1 =	vld [tilespmem:s5+$0x11]  }
.LBB2_13:
0x1a8: {  	_ =	sdelay $0x2  }
0x1a9: {  	s8 =	sadd.s32 $0x4, s8;
	s6 =	sadd.s32 $0x200, s6;
	s5 =	sadd.s32 $0x40, s5  }
0x1aa: {  	p0 =	slt.u32 s8, $0x7C;
	v0 =	vadd.f32 v1, v0;
	_ =	sdelay $0x1  }
0x1ab: {  	[tilespmem:s7+$0x80] =	vst v0;
	s7 =	smov.u32 s6  }
0x1ac: {  	v0 =	vld [tilespmem:s5+$0xFFFFFFE0]  }
0x1ad: {  	v1 =	vld [tilespmem:s5+$0xFFFFFFE1];
	_ =	sdelay $0x4  }
0x1ae: {  	v0 =	vadd.f32 v1, v0;
	_ =	sdelay $0x1  }
0x1af: {  	[tilespmem:s6+$0xFFFFFF00] =	vst v0  }
0x1b0: {  	v0 =	vld [tilespmem:s5+$0xFFFFFFF1]  }
0x1b1: {  	v1 =	vld [tilespmem:s5+$0xFFFFFFF0];
	_ =	sdelay $0x4  }
0x1b2: {  	v0 =	vadd.f32 v0, v1;
	_ =	sdelay $0x1  }
0x1b3: {  	[tilespmem:s6+$0xFFFFFF80] =	vst v0  }
0x1b4: {  	v0 =	vld [tilespmem:s5+$0x0]  }
0x1b5: {  	v1 =	vld [tilespmem:s5+$0x1];
	_ =	sdelay $0x4  }
.Ltmp7:
0x1b6: {  	v0 =	vadd.f32 v1, v0;
	(pc) =	sbr.rel @p0 .LBB2_13-.Ltmp7, $4  }
0x1b7: {  	_ = 	snop  }
0x1b8: {  	[tilespmem:s6+$0x0] =	vst v0  }
0x1b9: {  	v0 =	vld [tilespmem:s5+$0x10]  }
0x1ba: {  	v1 =	vld [tilespmem:s5+$0x11]  }
0x1bb: {  	_ =	sdelay $0x3  }
0x1bc: {  	v0 =	vadd.f32 v1, v0  }
0x1bd: {  	s2 =	sadd.s32 s4, s2  }
0x1be: {  	s4 =	simm.s32 $0x11880;
	s5 =	sadd.s32 $0x0, s2;
	[tilespmem:s7+$0x80] =	vst v0  }
0x1bf: {  	[spmem:s5] =	stream.linear.scatter [tilespmem:s4], [sflag:$0x3], $0x1, $0x38;
	[tilespmem:$0x15900] =	vst v63  }
0x1c0: {  	s5 =	simm.s32 $0x4  }
.LBB2_15:
0x1c1: {  	p0 =	sne.s32 s5, $0x1FC  }
.Ltmp8:
0x1c2: {  	_ = 	snop;
	(pc) =	sbr.rel @p0 .LBB2_15-.Ltmp8, $4  }
0x1c3: {  	_ = 	snop  }
0x1c4: {  	s6 =	sshra.s32 s5, $0x2;
	s5 =	sadd.s32 $0x4, s5  }
0x1c5: {  	s4 =	sadd.s32 $0x80, s4;
	s6 =	sadd.s32 s6, s2  }
0x1c6: {  	[spmem:s6] =	stream.linear.scatter [tilespmem:s4], [sflag:$0x3], $0x1, $0x38;
	[tilespmem:$0x15900] =	vst v63  }
0x1c7: {  	s4 =	simm.s32 $0x3  }
0x1c8: {  	s5 =	sshll.u32 s1, $0x4;
	_ =	swait.ge [sflag:s4], $0x80  }
0x1c9: {  	s31 =	sshll.u32 s1, $0x6;
	s2 =	sshrl.u32 s2, $0x3;
	[sflag:s4] =	ssyncset.done $0x0  }
0x1ca: {  	s3 =	sadd.s32 s3, s5;
	s5 =	sor.u32 $0x1C03, s31;
	[sflag:s4] =	ssyncadd.s32 $0xFFFFFF80  }
0x1cb: {  	[hbm:s3], [sflag:s5] =	dma.local [spmem:s2], $0x10  }
0x1cc: {  	_ =	swait.ge [sflag:s4], $0x10  }
0x1cd: {  	[sflag:s4] =	ssyncset.done $0x0  }
0x1ce: {  	[sflag:s4] =	ssyncadd.s32 $0xFFFFFFF0  }
0x1cf: {  	_ =	sfence.sel $0x180000  }
0x1d0: {  	[bflag:$0x0] =	sbarrier.arrive $0xFFFF  }
0x1d1: {  	p0 =	sne.s32 s1, $0x0;
	_ =	strace $0x90000047  }
0x1d2: {  	s0 =	sadd.s32 @!p0 $0x100000, s0;
	[bflag:$0x2] =	sbarrier.arrive $0xFFFF  }
0x1d3: {  	[sflag:s0] =	ssyncadd.tile.s32 @!p0 $0x1;
	_ =	shalt  }
.Lfunc_end2:
_tile_overlayer_lowered:
.L_overlay_start_2:
0x1d4: {  	(tag) =	ssettag $0x2  }
0x1d5: {  	s0 =	rddreg [dreg:$0x0];
	s2 =	stileid.u32  }
0x1d6: {  	s1 =	rddreg [dreg:$0x1];
	p0 =	sne.s32 s2, $0x0  }
0x1d7: {  	s3 =	rddreg [dreg:$0x2];
	[bflag:$0x3] =	sbarrier.arrive $0xFFFF;
	s2 =	simm.s32 @!p0 $0x1C03  }
0x1d8: {  	[timem:s3], [sflag:s2] =	dma.local @!p0 [hbm:s0], s1  }
0x1d9: {  	s0 =	simm.s32 @!p0 $0x3  }
0x1da: {  	_ =	swait.ge @!p0 [sflag:s0], s1  }
0x1db: {  	s1 =	ssub.s32 @!p0 $0x0, s1;
	[sflag:s0] =	ssyncset.done @!p0 $0x0  }
0x1dc: {  	[sflag:s0] =	ssyncadd.s32 @!p0 s1  }
0x1dd: {  	[bflag:$0x3] =	sbarrier.arrive $0xFFFF  }
0x1de: {  	_ =	shalt  }

</sc_bundles>
